<compile_context>
chip_gen: v7x
topology: tpu7x:2x2x1
jax: 0.10.2.dev20260603
libtpu: 0.0.44.dev20260713+nightly
codegen_flags: <defaults>
</compile_context>

<pallas_src>
import functools

import jax
import jax.numpy as jnp
from jax import lax
from jax.experimental import pallas as pl
from jax.experimental.pallas import tpu as pltpu
from jax.experimental.pallas import tpu_sc as plsc

_N = 10000
_D = 128
_DH = _D // 2
_E = 320000
_NC = 2
_NS = 16
_B = 80
_CHUNKS = _E // (_NS * _B)
_RING = 5
_RSTRIDE = 624
_WR = 640
_CW = 16

_mesh = plsc.VectorSubcoreMesh(
    core_axis_name="c", subcore_axis_name="s", num_cores=_NC, num_subcores=_NS
)


@functools.partial(
    pl.kernel,
    out_type=(
        jax.ShapeDtypeStruct((_NC, _N, _DH), jnp.float32),
        jax.ShapeDtypeStruct((_NC, _N, _CW), jnp.float32),
    ),
    mesh=_mesh,
    compiler_params=pltpu.CompilerParams(use_tc_tiling_on_sc=False),
    scratch_types=[
        pltpu.VMEM((_CHUNKS, _B), jnp.int32),
        pltpu.VMEM((_CHUNKS, _B), jnp.int32),
        [pltpu.VMEM((_B, _DH), jnp.float32) for _ in range(_RING)],
        pltpu.VMEM((_B, _CW), jnp.float32),
        pltpu.VMEM((_B, _DH), jnp.float32),
        pltpu.VMEM((_B, _CW), jnp.float32),
        pltpu.VMEM_SHARED((_N, _DH), jnp.float32),
        pltpu.VMEM_SHARED((_N, _CW), jnp.float32),
        [pltpu.SemaphoreType.DMA for _ in range(_RING)],
        [pltpu.SemaphoreType.DMA for _ in range(_RING)],
    ],
)
def _sc_aggregate(nodes_halves, senders3d, receivers3d, out_sums, out_cnts,
                  sidx, ridx, rows, ones_v, zrow, zcnt,
                  acc, cac, gsem, ssem):
    cid = lax.axis_index("c")
    sid = lax.axis_index("s")

    zero16 = jnp.zeros((_CW,), jnp.float32)
    one16 = jnp.ones((_CW,), jnp.float32)

    def init_body(r, carry):
        ones_v[r, :] = one16
        zcnt[r, :] = zero16
        for k in range(_DH // 16):
            zrow[r, pl.ds(k * 16, 16)] = zero16
        return carry

    lax.fori_loop(0, _B, init_body, 0)

    base = sid * _RSTRIDE
    pltpu.async_copy(senders3d.at[sid], sidx, gsem[0])
    pltpu.async_copy(receivers3d.at[sid], ridx, gsem[1])
    for i in range(_WR // _B):
        st = base + i * _B
        pltpu.async_copy(zrow, acc.at[pl.ds(st, _B)], ssem[0])
        pltpu.async_copy(zcnt, cac.at[pl.ds(st, _B)], ssem[1])
    pltpu.make_async_copy(senders3d.at[sid], sidx, gsem[0]).wait()
    pltpu.make_async_copy(receivers3d.at[sid], ridx, gsem[1]).wait()
    for i in range(_WR // _B):
        pltpu.make_async_copy(zrow, acc.at[pl.ds(base, _B)], ssem[0]).wait()
        pltpu.make_async_copy(zcnt, cac.at[pl.ds(base, _B)], ssem[1]).wait()
    plsc.subcore_barrier()

    src = nodes_halves.at[cid]

    def start_gather(j, b):
        pltpu.async_copy(src.at[sidx.at[j]], rows[b], gsem[b])

    def wait_gather(b):
        pltpu.make_async_copy(src.at[sidx.at[0]], rows[b], gsem[b]).wait()

    def start_scat(j, b):
        pltpu.async_copy(rows[b], acc.at[ridx.at[j]], ssem[b], add=True)

        @pl.when(lax.rem(j, 2) == cid)
        def _():
            pltpu.async_copy(ones_v, cac.at[ridx.at[j]], ssem[b], add=True)

    def wait_scat(j, b):
        pltpu.make_async_copy(rows[b], acc.at[ridx.at[0]], ssem[b]).wait()

        @pl.when(lax.rem(j, 2) == cid)
        def _():
            pltpu.make_async_copy(ones_v, cac.at[ridx.at[0]], ssem[b]).wait()

    for b in range(_RING):
        start_gather(b, b)

    def body(i, carry):
        j0 = _RING * i
        for b in range(_RING):
            wait_gather(b)
            start_scat(j0 + b, b)
        for b in range(_RING):
            wait_scat(j0 + b, b)
            start_gather(j0 + b + _RING, b)
        return carry

    lax.fori_loop(0, _CHUNKS // _RING - 1, body, 0)
    for b in range(_RING):
        wait_gather(b)
        start_scat(_CHUNKS - _RING + b, b)
    for b in range(_RING):
        wait_scat(_CHUNKS - _RING + b, b)

    plsc.subcore_barrier()

    pltpu.async_copy(acc.at[pl.ds(base, _WR)],
                     out_sums.at[cid, pl.ds(base, _WR)], gsem[0])
    pltpu.async_copy(cac.at[pl.ds(base, _WR)],
                     out_cnts.at[cid, pl.ds(base, _WR)], gsem[1])
    pltpu.make_async_copy(acc.at[pl.ds(base, _WR)],
                          out_sums.at[cid, pl.ds(base, _WR)], gsem[0]).wait()
    pltpu.make_async_copy(cac.at[pl.ds(base, _WR)],
                          out_cnts.at[cid, pl.ds(base, _WR)], gsem[1]).wait()


_MB = 2000


def _tc_body(res_ref, x_ref, s_ref, c_ref, w_ref, b_ref, o_ref):
    x = x_ref[...]
    c = c_ref[0] + c_ref[1]
    cnt = jnp.maximum(c[:, 0:1], 1.0)
    mean_lo = s_ref[0] / cnt
    mean_hi = s_ref[1] / cnt
    w = w_ref[...]
    acc = jnp.dot(x, w[0:_D], preferred_element_type=jnp.float32)
    acc = acc + jnp.dot(mean_lo, w[_D:_D + _DH],
                        preferred_element_type=jnp.float32)
    acc = acc + jnp.dot(mean_hi, w[_D + _DH:2 * _D],
                        preferred_element_type=jnp.float32)
    o_ref[...] = acc + b_ref[...] + res_ref[0, 0]


def _tc_finish(res, nodes, sums, cnts, W, b2d):
    return pl.pallas_call(
        _tc_body,
        grid=(_N // _MB,),
        in_specs=[
            pl.BlockSpec(memory_space=pltpu.SMEM),
            pl.BlockSpec((_MB, _D), lambda i: (i, 0)),
            pl.BlockSpec((_NC, _MB, _DH), lambda i: (0, i, 0)),
            pl.BlockSpec((_NC, _MB, _CW), lambda i: (0, i, 0)),
            pl.BlockSpec((2 * _D, _D), lambda i: (0, 0)),
            pl.BlockSpec((1, _D), lambda i: (0, 0)),
        ],
        out_specs=pl.BlockSpec((_MB, _D), lambda i: (i, 0)),
        out_shape=jax.ShapeDtypeStruct((_N, _D), jnp.float32),
    )(res, nodes, sums, cnts, W, b2d)


def kernel(nodes, senders, receivers, n_node, W, b):
    nodes_halves = jnp.stack([nodes[:, :_DH], nodes[:, _DH:]])
    senders3d = senders.reshape(_NS, _CHUNKS, _B)
    receivers3d = receivers.reshape(_NS, _CHUNKS, _B)
    sums, cnts = _sc_aggregate(nodes_halves, senders3d, receivers3d)
    res = (jnp.asarray(n_node, jnp.float32) - jnp.float32(_N)).reshape(1, 1)
    return _tc_finish(res, nodes, sums, cnts, W, b.reshape(1, _D))

# --- scband reference (transcript-rebuilt; emitter-appended) ---
"""Pipeline reference for scband-sageconv-layer-77738908057663 (READ-ONLY COPY).

The authoritative reference and input builder live on the scoring server;
editing this copy changes nothing except your own understanding.
"""

import jax, jax.numpy as jnp
import numpy as np

N_NODE = 10000
N_EDGE = 320000
D_FEAT = 128
D_OUT = 128


def setup_inputs(seed: int = 0) -> dict:
    key = jax.random.key(seed)
    k1, k2, k3, k4 = jax.random.split(key, 4)
    nodes = jax.random.normal(k1, (N_NODE, D_FEAT), dtype=jnp.float32)
    senders = jax.random.randint(k2, (N_EDGE,), 0, N_NODE, dtype=jnp.int32)
    receivers = jnp.sort(jax.random.randint(k3, (N_EDGE,), 0, N_NODE, dtype=jnp.int32))
    # Dense params: input is [x_self || mean_neighbors] -> 2*D_FEAT
    W = jax.random.normal(k4, (2 * D_FEAT, D_OUT), dtype=jnp.float32) * 0.05
    b = jnp.zeros((D_OUT,), dtype=jnp.float32)
    return {
        "nodes": nodes,
        "senders": senders,
        "receivers": receivers,
        "n_node": N_NODE,
        "W": W,
        "b": b,
    }


def reference(nodes, senders, receivers, n_node, W, b):
    # GraphSAGE mean aggregation: gather neighbor features, scatter-add by receiver
    num_segments = nodes.shape[0]
    neighbor_sum = jax.ops.segment_sum(nodes[senders], receivers, num_segments=num_segments)
    ones = jnp.ones(senders.shape[0], dtype=nodes.dtype)
    neighbor_count = jax.ops.segment_sum(ones, receivers, num_segments=num_segments)
    neighbor_count = jnp.maximum(neighbor_count, 1.0)[:, None]
    neighbor_mean = neighbor_sum / neighbor_count
    concat = jnp.concatenate([nodes, neighbor_mean], axis=-1)
    n_node_residual = (jnp.asarray(n_node) - num_segments).astype(W.dtype)
    return concat @ W + b + n_node_residual

if __name__ == "__main__":
    import jax
    _d = setup_inputs()
    print(jax.jit(kernel)(*tuple(_d.values())))

</pallas_src>

<mosaic_0001>
#map = affine_map<(d0, d1) -> (0, 0, 0)>
module attributes {stable_mosaic.version = 14 : i64} {
  func.func @_sc_aggregate(%arg0: i32, %arg1: i32, %arg2: memref<2x10000x64xf32, #tpu.memory_space<hbm>>, %arg3: memref<16x250x80xi32, #tpu.memory_space<hbm>>, %arg4: memref<16x250x80xi32, #tpu.memory_space<hbm>>, %arg5: memref<2x10000x64xf32, #tpu.memory_space<hbm>>, %arg6: memref<2x10000x16xf32, #tpu.memory_space<hbm>>, %arg7: memref<250x80xi32, #tpu.memory_space<vmem>>, %arg8: memref<250x80xi32, #tpu.memory_space<vmem>>, %arg9: memref<80x64xf32, #tpu.memory_space<vmem>>, %arg10: memref<80x64xf32, #tpu.memory_space<vmem>>, %arg11: memref<80x64xf32, #tpu.memory_space<vmem>>, %arg12: memref<80x64xf32, #tpu.memory_space<vmem>>, %arg13: memref<80x64xf32, #tpu.memory_space<vmem>>, %arg14: memref<80x16xf32, #tpu.memory_space<vmem>>, %arg15: memref<80x64xf32, #tpu.memory_space<vmem>>, %arg16: memref<80x16xf32, #tpu.memory_space<vmem>>, %arg17: memref<10000x64xf32, #tpu.memory_space<vmem_shared>>, %arg18: memref<10000x16xf32, #tpu.memory_space<vmem_shared>>, %arg19: memref<!tpu.dma_semaphore, #tpu.memory_space<semaphore_mem>>, %arg20: memref<!tpu.dma_semaphore, #tpu.memory_space<semaphore_mem>>, %arg21: memref<!tpu.dma_semaphore, #tpu.memory_space<semaphore_mem>>, %arg22: memref<!tpu.dma_semaphore, #tpu.memory_space<semaphore_mem>>, %arg23: memref<!tpu.dma_semaphore, #tpu.memory_space<semaphore_mem>>, %arg24: memref<!tpu.dma_semaphore, #tpu.memory_space<semaphore_mem>>, %arg25: memref<!tpu.dma_semaphore, #tpu.memory_space<semaphore_mem>>, %arg26: memref<!tpu.dma_semaphore, #tpu.memory_space<semaphore_mem>>, %arg27: memref<!tpu.dma_semaphore, #tpu.memory_space<semaphore_mem>>, %arg28: memref<!tpu.dma_semaphore, #tpu.memory_space<semaphore_mem>>) attributes {dimension_semantics = [#tpu.dimension_semantics<core_parallel>, #tpu.dimension_semantics<subcore_parallel>], iteration_bounds = array<i64: 2, 16>, scalar_prefetch = 0 : i64, scratch_operands = 22 : i64, tpu.core_type = #tpu.core_type<sc_vector_subcore>, window_params = [{transform_indices = #map}, {transform_indices = #map}, {transform_indices = #map}, {transform_indices = #map}, {transform_indices = #map}]} {
    %broadcast_in_dim3A = arith.constant 0.000000e+00 : f32
    %broadcast_in_dim3A_0 = vector.broadcast %broadcast_in_dim3A : f32 to vector<16xf32>
    %broadcast_in_dim3A_1 = arith.constant 1.000000e+00 : f32
    %broadcast_in_dim3A_2 = vector.broadcast %broadcast_in_dim3A_1 : f32 to vector<16xf32>
    %scan3A = arith.constant 0 : i32
    %scan3A_3 = arith.constant 0 : i32
    %scan3A_4 = arith.constant 80 : i32
    %scan3A_5 = arith.addi %scan3A_3, %scan3A_4 : i32
    %scan3A_6 = arith.constant 1 : i32
    scf.for %scan3A_455 = %scan3A_3 to %scan3A_5 step %scan3A_6  : i32 {
      %swap3A = arith.index_cast %scan3A_455 : i32 to index
      %swap3A_456 = arith.constant 0 : index
      %swap3A_457 = tpu.vector_load %arg14[%swap3A, %swap3A_456] {strides = array<i32>} : memref<80x16xf32, #tpu.memory_space<vmem>>, vector<1x16xf32>,
      %swap3A_458 = vector.shape_cast %swap3A_457 : vector<1x16xf32> to vector<16xf32>
      %swap3A_459 = vector.shape_cast %broadcast_in_dim3A_2 : vector<16xf32> to vector<1x16xf32>
      tpu.vector_store %arg14[%swap3A, %swap3A_456], %swap3A_459 {strides = array<i32>} : memref<80x16xf32, #tpu.memory_space<vmem>>, vector<1x16xf32>,
      %swap3A_460 = arith.index_cast %scan3A_455 : i32 to index
      %swap3A_461 = arith.constant 0 : index
      %swap3A_462 = tpu.vector_load %arg16[%swap3A_460, %swap3A_461] {strides = array<i32>} : memref<80x16xf32, #tpu.memory_space<vmem>>, vector<1x16xf32>,
      %swap3A_463 = vector.shape_cast %swap3A_462 : vector<1x16xf32> to vector<16xf32>
      %swap3A_464 = vector.shape_cast %broadcast_in_dim3A_0 : vector<16xf32> to vector<1x16xf32>
      tpu.vector_store %arg16[%swap3A_460, %swap3A_461], %swap3A_464 {strides = array<i32>} : memref<80x16xf32, #tpu.memory_space<vmem>>, vector<1x16xf32>,
      %swap3A_465 = arith.index_cast %scan3A_455 : i32 to index
      %swap3A_466 = arith.constant 0 : index
      %swap3A_467 = tpu.vector_load %arg15[%swap3A_465, %swap3A_466] {strides = array<i32>} : memref<80x64xf32, #tpu.memory_space<vmem>>, vector<1x16xf32>,
      %swap3A_468 = vector.shape_cast %swap3A_467 : vector<1x16xf32> to vector<16xf32>
      %swap3A_469 = vector.shape_cast %broadcast_in_dim3A_0 : vector<16xf32> to vector<1x16xf32>
      tpu.vector_store %arg15[%swap3A_465, %swap3A_466], %swap3A_469 {strides = array<i32>} : memref<80x64xf32, #tpu.memory_space<vmem>>, vector<1x16xf32>,
      %swap3A_470 = arith.index_cast %scan3A_455 : i32 to index
      %swap3A_471 = arith.constant 16 : index
      %swap3A_472 = tpu.vector_load %arg15[%swap3A_470, %swap3A_471] {strides = array<i32>} : memref<80x64xf32, #tpu.memory_space<vmem>>, vector<1x16xf32>,
      %swap3A_473 = vector.shape_cast %swap3A_472 : vector<1x16xf32> to vector<16xf32>
      %swap3A_474 = vector.shape_cast %broadcast_in_dim3A_0 : vector<16xf32> to vector<1x16xf32>
      tpu.vector_store %arg15[%swap3A_470, %swap3A_471], %swap3A_474 {strides = array<i32>} : memref<80x64xf32, #tpu.memory_space<vmem>>, vector<1x16xf32>,
      %swap3A_475 = arith.index_cast %scan3A_455 : i32 to index
      %swap3A_476 = arith.constant 32 : index
      %swap3A_477 = tpu.vector_load %arg15[%swap3A_475, %swap3A_476] {strides = array<i32>} : memref<80x64xf32, #tpu.memory_space<vmem>>, vector<1x16xf32>,
      %swap3A_478 = vector.shape_cast %swap3A_477 : vector<1x16xf32> to vector<16xf32>
      %swap3A_479 = vector.shape_cast %broadcast_in_dim3A_0 : vector<16xf32> to vector<1x16xf32>
      tpu.vector_store %arg15[%swap3A_475, %swap3A_476], %swap3A_479 {strides = array<i32>} : memref<80x64xf32, #tpu.memory_space<vmem>>, vector<1x16xf32>,
      %swap3A_480 = arith.index_cast %scan3A_455 : i32 to index
      %swap3A_481 = arith.constant 48 : index
      %swap3A_482 = tpu.vector_load %arg15[%swap3A_480, %swap3A_481] {strides = array<i32>} : memref<80x64xf32, #tpu.memory_space<vmem>>, vector<1x16xf32>,
      %swap3A_483 = vector.shape_cast %swap3A_482 : vector<1x16xf32> to vector<16xf32>
      %swap3A_484 = vector.shape_cast %broadcast_in_dim3A_0 : vector<16xf32> to vector<1x16xf32>
      tpu.vector_store %arg15[%swap3A_480, %swap3A_481], %swap3A_484 {strides = array<i32>} : memref<80x64xf32, #tpu.memory_space<vmem>>, vector<1x16xf32>,
    }
    %scan3A_7 = arith.constant 80 : i32
    %mul3A = arith.constant 624 : i32
    %mul3A_8 = arith.muli %arg1, %mul3A : i32
    %dma_start3A = arith.constant 0 : i32
    %dma_start3A_9 = arith.constant 0 : i32
    %dma_start3A_10 = tpu.memref_slice %arg3[%arg1, %dma_start3A, %dma_start3A_9] : memref<16x250x80xi32, #tpu.memory_space<hbm>> -> memref<1x250x80xi32, #tpu.memory_space<hbm>>
    %dma_start3A_11 = tpu.memref_squeeze %dma_start3A_10 : memref<1x250x80xi32, #tpu.memory_space<hbm>> -> memref<250x80xi32, #tpu.memory_space<hbm>>
    %dma_start3A_12 = arith.constant 0 : i32
    %dma_start3A_13 = arith.constant 0 : i32
    %dma_start3A_14 = tpu.memref_slice %arg3[%arg1, %dma_start3A_12, %dma_start3A_13] : memref<16x250x80xi32, #tpu.memory_space<hbm>> -> memref<1x250x80xi32, #tpu.memory_space<hbm>>
    %dma_start3A_15 = tpu.memref_squeeze %dma_start3A_14 : memref<1x250x80xi32, #tpu.memory_space<hbm>> -> memref<250x80xi32, #tpu.memory_space<hbm>>
    tpu.enqueue_dma source(%dma_start3A_15 : memref<250x80xi32, #tpu.memory_space<hbm>>) target(%arg7 : memref<250x80xi32, #tpu.memory_space<vmem>>) target_semaphore(%arg19 : memref<!tpu.dma_semaphore, #tpu.memory_space<semaphore_mem>>)
    %dma_start3A_16 = arith.constant 0 : i32
    %dma_start3A_17 = arith.constant 0 : i32
    %dma_start3A_18 = tpu.memref_slice %arg4[%arg1, %dma_start3A_16, %dma_start3A_17] : memref<16x250x80xi32, #tpu.memory_space<hbm>> -> memref<1x250x80xi32, #tpu.memory_space<hbm>>
    %dma_start3A_19 = tpu.memref_squeeze %dma_start3A_18 : memref<1x250x80xi32, #tpu.memory_space<hbm>> -> memref<250x80xi32, #tpu.memory_space<hbm>>
    %dma_start3A_20 = arith.constant 0 : i32
    %dma_start3A_21 = arith.constant 0 : i32
    %dma_start3A_22 = tpu.memref_slice %arg4[%arg1, %dma_start3A_20, %dma_start3A_21] : memref<16x250x80xi32, #tpu.memory_space<hbm>> -> memref<1x250x80xi32, #tpu.memory_space<hbm>>
    %dma_start3A_23 = tpu.memref_squeeze %dma_start3A_22 : memref<1x250x80xi32, #tpu.memory_space<hbm>> -> memref<250x80xi32, #tpu.memory_space<hbm>>
    tpu.enqueue_dma source(%dma_start3A_23 : memref<250x80xi32, #tpu.memory_space<hbm>>) target(%arg8 : memref<250x80xi32, #tpu.memory_space<vmem>>) target_semaphore(%arg20 : memref<!tpu.dma_semaphore, #tpu.memory_space<semaphore_mem>>)
    %add3A = arith.constant 0 : i32
    %add3A_24 = arith.addi %mul3A_8, %add3A : i32
    %dma_start3A_25 = arith.constant 0 : i32
    %dma_start3A_26 = tpu.memref_slice %arg17[%add3A_24, %dma_start3A_25] : memref<10000x64xf32, #tpu.memory_space<vmem_shared>> -> memref<80x64xf32, #tpu.memory_space<vmem_shared>>
    %dma_start3A_27 = arith.constant 0 : i32
    %dma_start3A_28 = tpu.memref_slice %arg17[%add3A_24, %dma_start3A_27] : memref<10000x64xf32, #tpu.memory_space<vmem_shared>> -> memref<80x64xf32, #tpu.memory_space<vmem_shared>>
    tpu.enqueue_dma source(%arg15 : memref<80x64xf32, #tpu.memory_space<vmem>>) target(%dma_start3A_28 : memref<80x64xf32, #tpu.memory_space<vmem_shared>>) target_semaphore(%arg24 : memref<!tpu.dma_semaphore, #tpu.memory_space<semaphore_mem>>)
    %dma_start3A_29 = arith.constant 0 : i32
    %dma_start3A_30 = tpu.memref_slice %arg18[%add3A_24, %dma_start3A_29] : memref<10000x16xf32, #tpu.memory_space<vmem_shared>> -> memref<80x16xf32, #tpu.memory_space<vmem_shared>>
    %dma_start3A_31 = arith.constant 0 : i32
    %dma_start3A_32 = tpu.memref_slice %arg18[%add3A_24, %dma_start3A_31] : memref<10000x16xf32, #tpu.memory_space<vmem_shared>> -> memref<80x16xf32, #tpu.memory_space<vmem_shared>>
    tpu.enqueue_dma source(%arg16 : memref<80x16xf32, #tpu.memory_space<vmem>>) target(%dma_start3A_32 : memref<80x16xf32, #tpu.memory_space<vmem_shared>>) target_semaphore(%arg25 : memref<!tpu.dma_semaphore, #tpu.memory_space<semaphore_mem>>)
    %add3A_33 = arith.constant 80 : i32
    %add3A_34 = arith.addi %mul3A_8, %add3A_33 : i32
    %dma_start3A_35 = arith.constant 0 : i32
    %dma_start3A_36 = tpu.memref_slice %arg17[%add3A_34, %dma_start3A_35] : memref<10000x64xf32, #tpu.memory_space<vmem_shared>> -> memref<80x64xf32, #tpu.memory_space<vmem_shared>>
    %dma_start3A_37 = arith.constant 0 : i32
    %dma_start3A_38 = tpu.memref_slice %arg17[%add3A_34, %dma_start3A_37] : memref<10000x64xf32, #tpu.memory_space<vmem_shared>> -> memref<80x64xf32, #tpu.memory_space<vmem_shared>>
    tpu.enqueue_dma source(%arg15 : memref<80x64xf32, #tpu.memory_space<vmem>>) target(%dma_start3A_38 : memref<80x64xf32, #tpu.memory_space<vmem_shared>>) target_semaphore(%arg24 : memref<!tpu.dma_semaphore, #tpu.memory_space<semaphore_mem>>)
    %dma_start3A_39 = arith.constant 0 : i32
    %dma_start3A_40 = tpu.memref_slice %arg18[%add3A_34, %dma_start3A_39] : memref<10000x16xf32, #tpu.memory_space<vmem_shared>> -> memref<80x16xf32, #tpu.memory_space<vmem_shared>>
    %dma_start3A_41 = arith.constant 0 : i32
    %dma_start3A_42 = tpu.memref_slice %arg18[%add3A_34, %dma_start3A_41] : memref<10000x16xf32, #tpu.memory_space<vmem_shared>> -> memref<80x16xf32, #tpu.memory_space<vmem_shared>>
    tpu.enqueue_dma source(%arg16 : memref<80x16xf32, #tpu.memory_space<vmem>>) target(%dma_start3A_42 : memref<80x16xf32, #tpu.memory_space<vmem_shared>>) target_semaphore(%arg25 : memref<!tpu.dma_semaphore, #tpu.memory_space<semaphore_mem>>)
    %add3A_43 = arith.constant 160 : i32
    %add3A_44 = arith.addi %mul3A_8, %add3A_43 : i32
    %dma_start3A_45 = arith.constant 0 : i32
    %dma_start3A_46 = tpu.memref_slice %arg17[%add3A_44, %dma_start3A_45] : memref<10000x64xf32, #tpu.memory_space<vmem_shared>> -> memref<80x64xf32, #tpu.memory_space<vmem_shared>>
    %dma_start3A_47 = arith.constant 0 : i32
    %dma_start3A_48 = tpu.memref_slice %arg17[%add3A_44, %dma_start3A_47] : memref<10000x64xf32, #tpu.memory_space<vmem_shared>> -> memref<80x64xf32, #tpu.memory_space<vmem_shared>>
    tpu.enqueue_dma source(%arg15 : memref<80x64xf32, #tpu.memory_space<vmem>>) target(%dma_start3A_48 : memref<80x64xf32, #tpu.memory_space<vmem_shared>>) target_semaphore(%arg24 : memref<!tpu.dma_semaphore, #tpu.memory_space<semaphore_mem>>)
    %dma_start3A_49 = arith.constant 0 : i32
    %dma_start3A_50 = tpu.memref_slice %arg18[%add3A_44, %dma_start3A_49] : memref<10000x16xf32, #tpu.memory_space<vmem_shared>> -> memref<80x16xf32, #tpu.memory_space<vmem_shared>>
    %dma_start3A_51 = arith.constant 0 : i32
    %dma_start3A_52 = tpu.memref_slice %arg18[%add3A_44, %dma_start3A_51] : memref<10000x16xf32, #tpu.memory_space<vmem_shared>> -> memref<80x16xf32, #tpu.memory_space<vmem_shared>>
    tpu.enqueue_dma source(%arg16 : memref<80x16xf32, #tpu.memory_space<vmem>>) target(%dma_start3A_52 : memref<80x16xf32, #tpu.memory_space<vmem_shared>>) target_semaphore(%arg25 : memref<!tpu.dma_semaphore, #tpu.memory_space<semaphore_mem>>)
    %add3A_53 = arith.constant 240 : i32
    %add3A_54 = arith.addi %mul3A_8, %add3A_53 : i32
    %dma_start3A_55 = arith.constant 0 : i32
    %dma_start3A_56 = tpu.memref_slice %arg17[%add3A_54, %dma_start3A_55] : memref<10000x64xf32, #tpu.memory_space<vmem_shared>> -> memref<80x64xf32, #tpu.memory_space<vmem_shared>>
    %dma_start3A_57 = arith.constant 0 : i32
    %dma_start3A_58 = tpu.memref_slice %arg17[%add3A_54, %dma_start3A_57] : memref<10000x64xf32, #tpu.memory_space<vmem_shared>> -> memref<80x64xf32, #tpu.memory_space<vmem_shared>>
    tpu.enqueue_dma source(%arg15 : memref<80x64xf32, #tpu.memory_space<vmem>>) target(%dma_start3A_58 : memref<80x64xf32, #tpu.memory_space<vmem_shared>>) target_semaphore(%arg24 : memref<!tpu.dma_semaphore, #tpu.memory_space<semaphore_mem>>)
    %dma_start3A_59 = arith.constant 0 : i32
    %dma_start3A_60 = tpu.memref_slice %arg18[%add3A_54, %dma_start3A_59] : memref<10000x16xf32, #tpu.memory_space<vmem_shared>> -> memref<80x16xf32, #tpu.memory_space<vmem_shared>>
    %dma_start3A_61 = arith.constant 0 : i32
    %dma_start3A_62 = tpu.memref_slice %arg18[%add3A_54, %dma_start3A_61] : memref<10000x16xf32, #tpu.memory_space<vmem_shared>> -> memref<80x16xf32, #tpu.memory_space<vmem_shared>>
    tpu.enqueue_dma source(%arg16 : memref<80x16xf32, #tpu.memory_space<vmem>>) target(%dma_start3A_62 : memref<80x16xf32, #tpu.memory_space<vmem_shared>>) target_semaphore(%arg25 : memref<!tpu.dma_semaphore, #tpu.memory_space<semaphore_mem>>)
    %add3A_63 = arith.constant 320 : i32
    %add3A_64 = arith.addi %mul3A_8, %add3A_63 : i32
    %dma_start3A_65 = arith.constant 0 : i32
    %dma_start3A_66 = tpu.memref_slice %arg17[%add3A_64, %dma_start3A_65] : memref<10000x64xf32, #tpu.memory_space<vmem_shared>> -> memref<80x64xf32, #tpu.memory_space<vmem_shared>>
    %dma_start3A_67 = arith.constant 0 : i32
    %dma_start3A_68 = tpu.memref_slice %arg17[%add3A_64, %dma_start3A_67] : memref<10000x64xf32, #tpu.memory_space<vmem_shared>> -> memref<80x64xf32, #tpu.memory_space<vmem_shared>>
    tpu.enqueue_dma source(%arg15 : memref<80x64xf32, #tpu.memory_space<vmem>>) target(%dma_start3A_68 : memref<80x64xf32, #tpu.memory_space<vmem_shared>>) target_semaphore(%arg24 : memref<!tpu.dma_semaphore, #tpu.memory_space<semaphore_mem>>)
    %dma_start3A_69 = arith.constant 0 : i32
    %dma_start3A_70 = tpu.memref_slice %arg18[%add3A_64, %dma_start3A_69] : memref<10000x16xf32, #tpu.memory_space<vmem_shared>> -> memref<80x16xf32, #tpu.memory_space<vmem_shared>>
    %dma_start3A_71 = arith.constant 0 : i32
    %dma_start3A_72 = tpu.memref_slice %arg18[%add3A_64, %dma_start3A_71] : memref<10000x16xf32, #tpu.memory_space<vmem_shared>> -> memref<80x16xf32, #tpu.memory_space<vmem_shared>>
    tpu.enqueue_dma source(%arg16 : memref<80x16xf32, #tpu.memory_space<vmem>>) target(%dma_start3A_72 : memref<80x16xf32, #tpu.memory_space<vmem_shared>>) target_semaphore(%arg25 : memref<!tpu.dma_semaphore, #tpu.memory_space<semaphore_mem>>)
    %add3A_73 = arith.constant 400 : i32
    %add3A_74 = arith.addi %mul3A_8, %add3A_73 : i32
    %dma_start3A_75 = arith.constant 0 : i32
    %dma_start3A_76 = tpu.memref_slice %arg17[%add3A_74, %dma_start3A_75] : memref<10000x64xf32, #tpu.memory_space<vmem_shared>> -> memref<80x64xf32, #tpu.memory_space<vmem_shared>>
    %dma_start3A_77 = arith.constant 0 : i32
    %dma_start3A_78 = tpu.memref_slice %arg17[%add3A_74, %dma_start3A_77] : memref<10000x64xf32, #tpu.memory_space<vmem_shared>> -> memref<80x64xf32, #tpu.memory_space<vmem_shared>>
    tpu.enqueue_dma source(%arg15 : memref<80x64xf32, #tpu.memory_space<vmem>>) target(%dma_start3A_78 : memref<80x64xf32, #tpu.memory_space<vmem_shared>>) target_semaphore(%arg24 : memref<!tpu.dma_semaphore, #tpu.memory_space<semaphore_mem>>)
    %dma_start3A_79 = arith.constant 0 : i32
    %dma_start3A_80 = tpu.memref_slice %arg18[%add3A_74, %dma_start3A_79] : memref<10000x16xf32, #tpu.memory_space<vmem_shared>> -> memref<80x16xf32, #tpu.memory_space<vmem_shared>>
    %dma_start3A_81 = arith.constant 0 : i32
    %dma_start3A_82 = tpu.memref_slice %arg18[%add3A_74, %dma_start3A_81] : memref<10000x16xf32, #tpu.memory_space<vmem_shared>> -> memref<80x16xf32, #tpu.memory_space<vmem_shared>>
    tpu.enqueue_dma source(%arg16 : memref<80x16xf32, #tpu.memory_space<vmem>>) target(%dma_start3A_82 : memref<80x16xf32, #tpu.memory_space<vmem_shared>>) target_semaphore(%arg25 : memref<!tpu.dma_semaphore, #tpu.memory_space<semaphore_mem>>)
    %add3A_83 = arith.constant 480 : i32
    %add3A_84 = arith.addi %mul3A_8, %add3A_83 : i32
    %dma_start3A_85 = arith.constant 0 : i32
    %dma_start3A_86 = tpu.memref_slice %arg17[%add3A_84, %dma_start3A_85] : memref<10000x64xf32, #tpu.memory_space<vmem_shared>> -> memref<80x64xf32, #tpu.memory_space<vmem_shared>>
    %dma_start3A_87 = arith.constant 0 : i32
    %dma_start3A_88 = tpu.memref_slice %arg17[%add3A_84, %dma_start3A_87] : memref<10000x64xf32, #tpu.memory_space<vmem_shared>> -> memref<80x64xf32, #tpu.memory_space<vmem_shared>>
    tpu.enqueue_dma source(%arg15 : memref<80x64xf32, #tpu.memory_space<vmem>>) target(%dma_start3A_88 : memref<80x64xf32, #tpu.memory_space<vmem_shared>>) target_semaphore(%arg24 : memref<!tpu.dma_semaphore, #tpu.memory_space<semaphore_mem>>)
    %dma_start3A_89 = arith.constant 0 : i32
    %dma_start3A_90 = tpu.memref_slice %arg18[%add3A_84, %dma_start3A_89] : memref<10000x16xf32, #tpu.memory_space<vmem_shared>> -> memref<80x16xf32, #tpu.memory_space<vmem_shared>>
    %dma_start3A_91 = arith.constant 0 : i32
    %dma_start3A_92 = tpu.memref_slice %arg18[%add3A_84, %dma_start3A_91] : memref<10000x16xf32, #tpu.memory_space<vmem_shared>> -> memref<80x16xf32, #tpu.memory_space<vmem_shared>>
    tpu.enqueue_dma source(%arg16 : memref<80x16xf32, #tpu.memory_space<vmem>>) target(%dma_start3A_92 : memref<80x16xf32, #tpu.memory_space<vmem_shared>>) target_semaphore(%arg25 : memref<!tpu.dma_semaphore, #tpu.memory_space<semaphore_mem>>)
    %add3A_93 = arith.constant 560 : i32
    %add3A_94 = arith.addi %mul3A_8, %add3A_93 : i32
    %dma_start3A_95 = arith.constant 0 : i32
    %dma_start3A_96 = tpu.memref_slice %arg17[%add3A_94, %dma_start3A_95] : memref<10000x64xf32, #tpu.memory_space<vmem_shared>> -> memref<80x64xf32, #tpu.memory_space<vmem_shared>>
    %dma_start3A_97 = arith.constant 0 : i32
    %dma_start3A_98 = tpu.memref_slice %arg17[%add3A_94, %dma_start3A_97] : memref<10000x64xf32, #tpu.memory_space<vmem_shared>> -> memref<80x64xf32, #tpu.memory_space<vmem_shared>>
    tpu.enqueue_dma source(%arg15 : memref<80x64xf32, #tpu.memory_space<vmem>>) target(%dma_start3A_98 : memref<80x64xf32, #tpu.memory_space<vmem_shared>>) target_semaphore(%arg24 : memref<!tpu.dma_semaphore, #tpu.memory_space<semaphore_mem>>)
    %dma_start3A_99 = arith.constant 0 : i32
    %dma_start3A_100 = tpu.memref_slice %arg18[%add3A_94, %dma_start3A_99] : memref<10000x16xf32, #tpu.memory_space<vmem_shared>> -> memref<80x16xf32, #tpu.memory_space<vmem_shared>>
    %dma_start3A_101 = arith.constant 0 : i32
    %dma_start3A_102 = tpu.memref_slice %arg18[%add3A_94, %dma_start3A_101] : memref<10000x16xf32, #tpu.memory_space<vmem_shared>> -> memref<80x16xf32, #tpu.memory_space<vmem_shared>>
    tpu.enqueue_dma source(%arg16 : memref<80x16xf32, #tpu.memory_space<vmem>>) target(%dma_start3A_102 : memref<80x16xf32, #tpu.memory_space<vmem_shared>>) target_semaphore(%arg25 : memref<!tpu.dma_semaphore, #tpu.memory_space<semaphore_mem>>)
    %dma_wait3A = arith.constant 0 : i32
    %dma_wait3A_103 = arith.constant 0 : i32
    %dma_wait3A_104 = tpu.memref_slice %arg3[%arg1, %dma_wait3A, %dma_wait3A_103] : memref<16x250x80xi32, #tpu.memory_space<hbm>> -> memref<1x250x80xi32, #tpu.memory_space<hbm>>
    %dma_wait3A_105 = tpu.memref_squeeze %dma_wait3A_104 : memref<1x250x80xi32, #tpu.memory_space<hbm>> -> memref<250x80xi32, #tpu.memory_space<hbm>>
    %dma_wait3A_106 = arith.constant 0 : i32
    %dma_wait3A_107 = arith.constant 0 : i32
    %dma_wait3A_108 = tpu.memref_slice %arg3[%arg1, %dma_wait3A_106, %dma_wait3A_107] : memref<16x250x80xi32, #tpu.memory_space<hbm>> -> memref<1x250x80xi32, #tpu.memory_space<hbm>>
    %dma_wait3A_109 = tpu.memref_squeeze %dma_wait3A_108 : memref<1x250x80xi32, #tpu.memory_space<hbm>> -> memref<250x80xi32, #tpu.memory_space<hbm>>
    tpu.wait_dma2 semaphore(%arg19 : memref<!tpu.dma_semaphore, #tpu.memory_space<semaphore_mem>>) src(%dma_wait3A_109 : memref<250x80xi32, #tpu.memory_space<hbm>>) dst(%arg7 : memref<250x80xi32, #tpu.memory_space<vmem>>)
    %dma_wait3A_110 = arith.constant 0 : i32
    %dma_wait3A_111 = arith.constant 0 : i32
    %dma_wait3A_112 = tpu.memref_slice %arg4[%arg1, %dma_wait3A_110, %dma_wait3A_111] : memref<16x250x80xi32, #tpu.memory_space<hbm>> -> memref<1x250x80xi32, #tpu.memory_space<hbm>>
    %dma_wait3A_113 = tpu.memref_squeeze %dma_wait3A_112 : memref<1x250x80xi32, #tpu.memory_space<hbm>> -> memref<250x80xi32, #tpu.memory_space<hbm>>
    %dma_wait3A_114 = arith.constant 0 : i32
    %dma_wait3A_115 = arith.constant 0 : i32
    %dma_wait3A_116 = tpu.memref_slice %arg4[%arg1, %dma_wait3A_114, %dma_wait3A_115] : memref<16x250x80xi32, #tpu.memory_space<hbm>> -> memref<1x250x80xi32, #tpu.memory_space<hbm>>
    %dma_wait3A_117 = tpu.memref_squeeze %dma_wait3A_116 : memref<1x250x80xi32, #tpu.memory_space<hbm>> -> memref<250x80xi32, #tpu.memory_space<hbm>>
    tpu.wait_dma2 semaphore(%arg20 : memref<!tpu.dma_semaphore, #tpu.memory_space<semaphore_mem>>) src(%dma_wait3A_117 : memref<250x80xi32, #tpu.memory_space<hbm>>) dst(%arg8 : memref<250x80xi32, #tpu.memory_space<vmem>>)
    %dma_wait3A_118 = arith.constant 0 : i32
    %dma_wait3A_119 = tpu.memref_slice %arg17[%mul3A_8, %dma_wait3A_118] : memref<10000x64xf32, #tpu.memory_space<vmem_shared>> -> memref<80x64xf32, #tpu.memory_space<vmem_shared>>
    %dma_wait3A_120 = arith.constant 0 : i32
    %dma_wait3A_121 = tpu.memref_slice %arg17[%mul3A_8, %dma_wait3A_120] : memref<10000x64xf32, #tpu.memory_space<vmem_shared>> -> memref<80x64xf32, #tpu.memory_space<vmem_shared>>
    tpu.wait_dma2 semaphore(%arg24 : memref<!tpu.dma_semaphore, #tpu.memory_space<semaphore_mem>>) src(%arg15 : memref<80x64xf32, #tpu.memory_space<vmem>>) dst(%dma_wait3A_121 : memref<80x64xf32, #tpu.memory_space<vmem_shared>>)
    %dma_wait3A_122 = arith.constant 0 : i32
    %dma_wait3A_123 = tpu.memref_slice %arg18[%mul3A_8, %dma_wait3A_122] : memref<10000x16xf32, #tpu.memory_space<vmem_shared>> -> memref<80x16xf32, #tpu.memory_space<vmem_shared>>
    %dma_wait3A_124 = arith.constant 0 : i32
    %dma_wait3A_125 = tpu.memref_slice %arg18[%mul3A_8, %dma_wait3A_124] : memref<10000x16xf32, #tpu.memory_space<vmem_shared>> -> memref<80x16xf32, #tpu.memory_space<vmem_shared>>
    tpu.wait_dma2 semaphore(%arg25 : memref<!tpu.dma_semaphore, #tpu.memory_space<semaphore_mem>>) src(%arg16 : memref<80x16xf32, #tpu.memory_space<vmem>>) dst(%dma_wait3A_125 : memref<80x16xf32, #tpu.memory_space<vmem_shared>>)
    %dma_wait3A_126 = arith.constant 0 : i32
    %dma_wait3A_127 = tpu.memref_slice %arg17[%mul3A_8, %dma_wait3A_126] : memref<10000x64xf32, #tpu.memory_space<vmem_shared>> -> memref<80x64xf32, #tpu.memory_space<vmem_shared>>
    %dma_wait3A_128 = arith.constant 0 : i32
    %dma_wait3A_129 = tpu.memref_slice %arg17[%mul3A_8, %dma_wait3A_128] : memref<10000x64xf32, #tpu.memory_space<vmem_shared>> -> memref<80x64xf32, #tpu.memory_space<vmem_shared>>
    tpu.wait_dma2 semaphore(%arg24 : memref<!tpu.dma_semaphore, #tpu.memory_space<semaphore_mem>>) src(%arg15 : memref<80x64xf32, #tpu.memory_space<vmem>>) dst(%dma_wait3A_129 : memref<80x64xf32, #tpu.memory_space<vmem_shared>>)
    %dma_wait3A_130 = arith.constant 0 : i32
    %dma_wait3A_131 = tpu.memref_slice %arg18[%mul3A_8, %dma_wait3A_130] : memref<10000x16xf32, #tpu.memory_space<vmem_shared>> -> memref<80x16xf32, #tpu.memory_space<vmem_shared>>
    %dma_wait3A_132 = arith.constant 0 : i32
    %dma_wait3A_133 = tpu.memref_slice %arg18[%mul3A_8, %dma_wait3A_132] : memref<10000x16xf32, #tpu.memory_space<vmem_shared>> -> memref<80x16xf32, #tpu.memory_space<vmem_shared>>
    tpu.wait_dma2 semaphore(%arg25 : memref<!tpu.dma_semaphore, #tpu.memory_space<semaphore_mem>>) src(%arg16 : memref<80x16xf32, #tpu.memory_space<vmem>>) dst(%dma_wait3A_133 : memref<80x16xf32, #tpu.memory_space<vmem_shared>>)
    %dma_wait3A_134 = arith.constant 0 : i32
    %dma_wait3A_135 = tpu.memref_slice %arg17[%mul3A_8, %dma_wait3A_134] : memref<10000x64xf32, #tpu.memory_space<vmem_shared>> -> memref<80x64xf32, #tpu.memory_space<vmem_shared>>
    %dma_wait3A_136 = arith.constant 0 : i32
    %dma_wait3A_137 = tpu.memref_slice %arg17[%mul3A_8, %dma_wait3A_136] : memref<10000x64xf32, #tpu.memory_space<vmem_shared>> -> memref<80x64xf32, #tpu.memory_space<vmem_shared>>
    tpu.wait_dma2 semaphore(%arg24 : memref<!tpu.dma_semaphore, #tpu.memory_space<semaphore_mem>>) src(%arg15 : memref<80x64xf32, #tpu.memory_space<vmem>>) dst(%dma_wait3A_137 : memref<80x64xf32, #tpu.memory_space<vmem_shared>>)
    %dma_wait3A_138 = arith.constant 0 : i32
    %dma_wait3A_139 = tpu.memref_slice %arg18[%mul3A_8, %dma_wait3A_138] : memref<10000x16xf32, #tpu.memory_space<vmem_shared>> -> memref<80x16xf32, #tpu.memory_space<vmem_shared>>
    %dma_wait3A_140 = arith.constant 0 : i32
    %dma_wait3A_141 = tpu.memref_slice %arg18[%mul3A_8, %dma_wait3A_140] : memref<10000x16xf32, #tpu.memory_space<vmem_shared>> -> memref<80x16xf32, #tpu.memory_space<vmem_shared>>
    tpu.wait_dma2 semaphore(%arg25 : memref<!tpu.dma_semaphore, #tpu.memory_space<semaphore_mem>>) src(%arg16 : memref<80x16xf32, #tpu.memory_space<vmem>>) dst(%dma_wait3A_141 : memref<80x16xf32, #tpu.memory_space<vmem_shared>>)
    %dma_wait3A_142 = arith.constant 0 : i32
    %dma_wait3A_143 = tpu.memref_slice %arg17[%mul3A_8, %dma_wait3A_142] : memref<10000x64xf32, #tpu.memory_space<vmem_shared>> -> memref<80x64xf32, #tpu.memory_space<vmem_shared>>
    %dma_wait3A_144 = arith.constant 0 : i32
    %dma_wait3A_145 = tpu.memref_slice %arg17[%mul3A_8, %dma_wait3A_144] : memref<10000x64xf32, #tpu.memory_space<vmem_shared>> -> memref<80x64xf32, #tpu.memory_space<vmem_shared>>
    tpu.wait_dma2 semaphore(%arg24 : memref<!tpu.dma_semaphore, #tpu.memory_space<semaphore_mem>>) src(%arg15 : memref<80x64xf32, #tpu.memory_space<vmem>>) dst(%dma_wait3A_145 : memref<80x64xf32, #tpu.memory_space<vmem_shared>>)
    %dma_wait3A_146 = arith.constant 0 : i32
    %dma_wait3A_147 = tpu.memref_slice %arg18[%mul3A_8, %dma_wait3A_146] : memref<10000x16xf32, #tpu.memory_space<vmem_shared>> -> memref<80x16xf32, #tpu.memory_space<vmem_shared>>
    %dma_wait3A_148 = arith.constant 0 : i32
    %dma_wait3A_149 = tpu.memref_slice %arg18[%mul3A_8, %dma_wait3A_148] : memref<10000x16xf32, #tpu.memory_space<vmem_shared>> -> memref<80x16xf32, #tpu.memory_space<vmem_shared>>
    tpu.wait_dma2 semaphore(%arg25 : memref<!tpu.dma_semaphore, #tpu.memory_space<semaphore_mem>>) src(%arg16 : memref<80x16xf32, #tpu.memory_space<vmem>>) dst(%dma_wait3A_149 : memref<80x16xf32, #tpu.memory_space<vmem_shared>>)
    %dma_wait3A_150 = arith.constant 0 : i32
    %dma_wait3A_151 = tpu.memref_slice %arg17[%mul3A_8, %dma_wait3A_150] : memref<10000x64xf32, #tpu.memory_space<vmem_shared>> -> memref<80x64xf32, #tpu.memory_space<vmem_shared>>
    %dma_wait3A_152 = arith.constant 0 : i32
    %dma_wait3A_153 = tpu.memref_slice %arg17[%mul3A_8, %dma_wait3A_152] : memref<10000x64xf32, #tpu.memory_space<vmem_shared>> -> memref<80x64xf32, #tpu.memory_space<vmem_shared>>
    tpu.wait_dma2 semaphore(%arg24 : memref<!tpu.dma_semaphore, #tpu.memory_space<semaphore_mem>>) src(%arg15 : memref<80x64xf32, #tpu.memory_space<vmem>>) dst(%dma_wait3A_153 : memref<80x64xf32, #tpu.memory_space<vmem_shared>>)
    %dma_wait3A_154 = arith.constant 0 : i32
    %dma_wait3A_155 = tpu.memref_slice %arg18[%mul3A_8, %dma_wait3A_154] : memref<10000x16xf32, #tpu.memory_space<vmem_shared>> -> memref<80x16xf32, #tpu.memory_space<vmem_shared>>
    %dma_wait3A_156 = arith.constant 0 : i32
    %dma_wait3A_157 = tpu.memref_slice %arg18[%mul3A_8, %dma_wait3A_156] : memref<10000x16xf32, #tpu.memory_space<vmem_shared>> -> memref<80x16xf32, #tpu.memory_space<vmem_shared>>
    tpu.wait_dma2 semaphore(%arg25 : memref<!tpu.dma_semaphore, #tpu.memory_space<semaphore_mem>>) src(%arg16 : memref<80x16xf32, #tpu.memory_space<vmem>>) dst(%dma_wait3A_157 : memref<80x16xf32, #tpu.memory_space<vmem_shared>>)
    %dma_wait3A_158 = arith.constant 0 : i32
    %dma_wait3A_159 = tpu.memref_slice %arg17[%mul3A_8, %dma_wait3A_158] : memref<10000x64xf32, #tpu.memory_space<vmem_shared>> -> memref<80x64xf32, #tpu.memory_space<vmem_shared>>
    %dma_wait3A_160 = arith.constant 0 : i32
    %dma_wait3A_161 = tpu.memref_slice %arg17[%mul3A_8, %dma_wait3A_160] : memref<10000x64xf32, #tpu.memory_space<vmem_shared>> -> memref<80x64xf32, #tpu.memory_space<vmem_shared>>
    tpu.wait_dma2 semaphore(%arg24 : memref<!tpu.dma_semaphore, #tpu.memory_space<semaphore_mem>>) src(%arg15 : memref<80x64xf32, #tpu.memory_space<vmem>>) dst(%dma_wait3A_161 : memref<80x64xf32, #tpu.memory_space<vmem_shared>>)
    %dma_wait3A_162 = arith.constant 0 : i32
    %dma_wait3A_163 = tpu.memref_slice %arg18[%mul3A_8, %dma_wait3A_162] : memref<10000x16xf32, #tpu.memory_space<vmem_shared>> -> memref<80x16xf32, #tpu.memory_space<vmem_shared>>
    %dma_wait3A_164 = arith.constant 0 : i32
    %dma_wait3A_165 = tpu.memref_slice %arg18[%mul3A_8, %dma_wait3A_164] : memref<10000x16xf32, #tpu.memory_space<vmem_shared>> -> memref<80x16xf32, #tpu.memory_space<vmem_shared>>
    tpu.wait_dma2 semaphore(%arg25 : memref<!tpu.dma_semaphore, #tpu.memory_space<semaphore_mem>>) src(%arg16 : memref<80x16xf32, #tpu.memory_space<vmem>>) dst(%dma_wait3A_165 : memref<80x16xf32, #tpu.memory_space<vmem_shared>>)
    %dma_wait3A_166 = arith.constant 0 : i32
    %dma_wait3A_167 = tpu.memref_slice %arg17[%mul3A_8, %dma_wait3A_166] : memref<10000x64xf32, #tpu.memory_space<vmem_shared>> -> memref<80x64xf32, #tpu.memory_space<vmem_shared>>
    %dma_wait3A_168 = arith.constant 0 : i32
    %dma_wait3A_169 = tpu.memref_slice %arg17[%mul3A_8, %dma_wait3A_168] : memref<10000x64xf32, #tpu.memory_space<vmem_shared>> -> memref<80x64xf32, #tpu.memory_space<vmem_shared>>
    tpu.wait_dma2 semaphore(%arg24 : memref<!tpu.dma_semaphore, #tpu.memory_space<semaphore_mem>>) src(%arg15 : memref<80x64xf32, #tpu.memory_space<vmem>>) dst(%dma_wait3A_169 : memref<80x64xf32, #tpu.memory_space<vmem_shared>>)
    %dma_wait3A_170 = arith.constant 0 : i32
    %dma_wait3A_171 = tpu.memref_slice %arg18[%mul3A_8, %dma_wait3A_170] : memref<10000x16xf32, #tpu.memory_space<vmem_shared>> -> memref<80x16xf32, #tpu.memory_space<vmem_shared>>
    %dma_wait3A_172 = arith.constant 0 : i32
    %dma_wait3A_173 = tpu.memref_slice %arg18[%mul3A_8, %dma_wait3A_172] : memref<10000x16xf32, #tpu.memory_space<vmem_shared>> -> memref<80x16xf32, #tpu.memory_space<vmem_shared>>
    tpu.wait_dma2 semaphore(%arg25 : memref<!tpu.dma_semaphore, #tpu.memory_space<semaphore_mem>>) src(%arg16 : memref<80x16xf32, #tpu.memory_space<vmem>>) dst(%dma_wait3A_173 : memref<80x16xf32, #tpu.memory_space<vmem_shared>>)
    %dma_wait3A_174 = arith.constant 0 : i32
    %dma_wait3A_175 = tpu.memref_slice %arg17[%mul3A_8, %dma_wait3A_174] : memref<10000x64xf32, #tpu.memory_space<vmem_shared>> -> memref<80x64xf32, #tpu.memory_space<vmem_shared>>
    %dma_wait3A_176 = arith.constant 0 : i32
    %dma_wait3A_177 = tpu.memref_slice %arg17[%mul3A_8, %dma_wait3A_176] : memref<10000x64xf32, #tpu.memory_space<vmem_shared>> -> memref<80x64xf32, #tpu.memory_space<vmem_shared>>
    tpu.wait_dma2 semaphore(%arg24 : memref<!tpu.dma_semaphore, #tpu.memory_space<semaphore_mem>>) src(%arg15 : memref<80x64xf32, #tpu.memory_space<vmem>>) dst(%dma_wait3A_177 : memref<80x64xf32, #tpu.memory_space<vmem_shared>>)
    %dma_wait3A_178 = arith.constant 0 : i32
    %dma_wait3A_179 = tpu.memref_slice %arg18[%mul3A_8, %dma_wait3A_178] : memref<10000x16xf32, #tpu.memory_space<vmem_shared>> -> memref<80x16xf32, #tpu.memory_space<vmem_shared>>
    %dma_wait3A_180 = arith.constant 0 : i32
    %dma_wait3A_181 = tpu.memref_slice %arg18[%mul3A_8, %dma_wait3A_180] : memref<10000x16xf32, #tpu.memory_space<vmem_shared>> -> memref<80x16xf32, #tpu.memory_space<vmem_shared>>
    tpu.wait_dma2 semaphore(%arg25 : memref<!tpu.dma_semaphore, #tpu.memory_space<semaphore_mem>>) src(%arg16 : memref<80x16xf32, #tpu.memory_space<vmem>>) dst(%dma_wait3A_181 : memref<80x16xf32, #tpu.memory_space<vmem_shared>>)
    %barrier3A = arith.constant 0 : index
    tpu.barrier barrier_id(%barrier3A)
    %dma_start3A_182 = arith.constant 0 : i32
    %dma_start3A_183 = arith.constant 0 : i32
    %dma_start3A_184 = tpu.memref_slice %arg7[%dma_start3A_182, %dma_start3A_183] : memref<250x80xi32, #tpu.memory_space<vmem>> -> memref<1x80xi32, #tpu.memory_space<vmem>>
    %dma_start3A_185 = tpu.memref_squeeze %dma_start3A_184 : memref<1x80xi32, #tpu.memory_space<vmem>> -> memref<80xi32, #tpu.memory_space<vmem>>
    %dma_start3A_186 = arith.constant 0 : i32
    %dma_start3A_187 = arith.constant 0 : i32
    %dma_start3A_188 = tpu.memref_slice %arg2[%arg0, %dma_start3A_186, %dma_start3A_187] : memref<2x10000x64xf32, #tpu.memory_space<hbm>> -> memref<1x10000x64xf32, #tpu.memory_space<hbm>>
    %dma_start3A_189 = tpu.memref_squeeze %dma_start3A_188 : memref<1x10000x64xf32, #tpu.memory_space<hbm>> -> memref<10000x64xf32, #tpu.memory_space<hbm>>
    %dma_start3A_190 = arith.constant 0 : i32
    %dma_start3A_191 = arith.constant 0 : i32
    %dma_start3A_192 = tpu.memref_slice %dma_start3A_189[%dma_start3A_190, %dma_start3A_191] : memref<10000x64xf32, #tpu.memory_space<hbm>> -> memref<10000x64xf32, #tpu.memory_space<hbm>>
    tpu.enqueue_indirect_dma source(%dma_start3A_192 : memref<10000x64xf32, #tpu.memory_space<hbm>>) target(%arg9 : memref<80x64xf32, #tpu.memory_space<vmem>>) offsets(%dma_start3A_185 : memref<80xi32, #tpu.memory_space<vmem>>) semaphore(%arg19 : memref<!tpu.dma_semaphore, #tpu.memory_space<semaphore_mem>>)
    %dma_start3A_193 = arith.constant 1 : i32
    %dma_start3A_194 = arith.constant 0 : i32
    %dma_start3A_195 = tpu.memref_slice %arg7[%dma_start3A_193, %dma_start3A_194] : memref<250x80xi32, #tpu.memory_space<vmem>> -> memref<1x80xi32, #tpu.memory_space<vmem>>
    %dma_start3A_196 = tpu.memref_squeeze %dma_start3A_195 : memref<1x80xi32, #tpu.memory_space<vmem>> -> memref<80xi32, #tpu.memory_space<vmem>>
    %dma_start3A_197 = arith.constant 0 : i32
    %dma_start3A_198 = arith.constant 0 : i32
    %dma_start3A_199 = tpu.memref_slice %arg2[%arg0, %dma_start3A_197, %dma_start3A_198] : memref<2x10000x64xf32, #tpu.memory_space<hbm>> -> memref<1x10000x64xf32, #tpu.memory_space<hbm>>
    %dma_start3A_200 = tpu.memref_squeeze %dma_start3A_199 : memref<1x10000x64xf32, #tpu.memory_space<hbm>> -> memref<10000x64xf32, #tpu.memory_space<hbm>>
    %dma_start3A_201 = arith.constant 0 : i32
    %dma_start3A_202 = arith.constant 0 : i32
    %dma_start3A_203 = tpu.memref_slice %dma_start3A_200[%dma_start3A_201, %dma_start3A_202] : memref<10000x64xf32, #tpu.memory_space<hbm>> -> memref<10000x64xf32, #tpu.memory_space<hbm>>
    tpu.enqueue_indirect_dma source(%dma_start3A_203 : memref<10000x64xf32, #tpu.memory_space<hbm>>) target(%arg10 : memref<80x64xf32, #tpu.memory_space<vmem>>) offsets(%dma_start3A_196 : memref<80xi32, #tpu.memory_space<vmem>>) semaphore(%arg20 : memref<!tpu.dma_semaphore, #tpu.memory_space<semaphore_mem>>)
    %dma_start3A_204 = arith.constant 2 : i32
    %dma_start3A_205 = arith.constant 0 : i32
    %dma_start3A_206 = tpu.memref_slice %arg7[%dma_start3A_204, %dma_start3A_205] : memref<250x80xi32, #tpu.memory_space<vmem>> -> memref<1x80xi32, #tpu.memory_space<vmem>>
    %dma_start3A_207 = tpu.memref_squeeze %dma_start3A_206 : memref<1x80xi32, #tpu.memory_space<vmem>> -> memref<80xi32, #tpu.memory_space<vmem>>
    %dma_start3A_208 = arith.constant 0 : i32
    %dma_start3A_209 = arith.constant 0 : i32
    %dma_start3A_210 = tpu.memref_slice %arg2[%arg0, %dma_start3A_208, %dma_start3A_209] : memref<2x10000x64xf32, #tpu.memory_space<hbm>> -> memref<1x10000x64xf32, #tpu.memory_space<hbm>>
    %dma_start3A_211 = tpu.memref_squeeze %dma_start3A_210 : memref<1x10000x64xf32, #tpu.memory_space<hbm>> -> memref<10000x64xf32, #tpu.memory_space<hbm>>
    %dma_start3A_212 = arith.constant 0 : i32
    %dma_start3A_213 = arith.constant 0 : i32
    %dma_start3A_214 = tpu.memref_slice %dma_start3A_211[%dma_start3A_212, %dma_start3A_213] : memref<10000x64xf32, #tpu.memory_space<hbm>> -> memref<10000x64xf32, #tpu.memory_space<hbm>>
    tpu.enqueue_indirect_dma source(%dma_start3A_214 : memref<10000x64xf32, #tpu.memory_space<hbm>>) target(%arg11 : memref<80x64xf32, #tpu.memory_space<vmem>>) offsets(%dma_start3A_207 : memref<80xi32, #tpu.memory_space<vmem>>) semaphore(%arg21 : memref<!tpu.dma_semaphore, #tpu.memory_space<semaphore_mem>>)
    %dma_start3A_215 = arith.constant 3 : i32
    %dma_start3A_216 = arith.constant 0 : i32
    %dma_start3A_217 = tpu.memref_slice %arg7[%dma_start3A_215, %dma_start3A_216] : memref<250x80xi32, #tpu.memory_space<vmem>> -> memref<1x80xi32, #tpu.memory_space<vmem>>
    %dma_start3A_218 = tpu.memref_squeeze %dma_start3A_217 : memref<1x80xi32, #tpu.memory_space<vmem>> -> memref<80xi32, #tpu.memory_space<vmem>>
    %dma_start3A_219 = arith.constant 0 : i32
    %dma_start3A_220 = arith.constant 0 : i32
    %dma_start3A_221 = tpu.memref_slice %arg2[%arg0, %dma_start3A_219, %dma_start3A_220] : memref<2x10000x64xf32, #tpu.memory_space<hbm>> -> memref<1x10000x64xf32, #tpu.memory_space<hbm>>
    %dma_start3A_222 = tpu.memref_squeeze %dma_start3A_221 : memref<1x10000x64xf32, #tpu.memory_space<hbm>> -> memref<10000x64xf32, #tpu.memory_space<hbm>>
    %dma_start3A_223 = arith.constant 0 : i32
    %dma_start3A_224 = arith.constant 0 : i32
    %dma_start3A_225 = tpu.memref_slice %dma_start3A_222[%dma_start3A_223, %dma_start3A_224] : memref<10000x64xf32, #tpu.memory_space<hbm>> -> memref<10000x64xf32, #tpu.memory_space<hbm>>
    tpu.enqueue_indirect_dma source(%dma_start3A_225 : memref<10000x64xf32, #tpu.memory_space<hbm>>) target(%arg12 : memref<80x64xf32, #tpu.memory_space<vmem>>) offsets(%dma_start3A_218 : memref<80xi32, #tpu.memory_space<vmem>>) semaphore(%arg22 : memref<!tpu.dma_semaphore, #tpu.memory_space<semaphore_mem>>)
    %dma_start3A_226 = arith.constant 4 : i32
    %dma_start3A_227 = arith.constant 0 : i32
    %dma_start3A_228 = tpu.memref_slice %arg7[%dma_start3A_226, %dma_start3A_227] : memref<250x80xi32, #tpu.memory_space<vmem>> -> memref<1x80xi32, #tpu.memory_space<vmem>>
    %dma_start3A_229 = tpu.memref_squeeze %dma_start3A_228 : memref<1x80xi32, #tpu.memory_space<vmem>> -> memref<80xi32, #tpu.memory_space<vmem>>
    %dma_start3A_230 = arith.constant 0 : i32
    %dma_start3A_231 = arith.constant 0 : i32
    %dma_start3A_232 = tpu.memref_slice %arg2[%arg0, %dma_start3A_230, %dma_start3A_231] : memref<2x10000x64xf32, #tpu.memory_space<hbm>> -> memref<1x10000x64xf32, #tpu.memory_space<hbm>>
    %dma_start3A_233 = tpu.memref_squeeze %dma_start3A_232 : memref<1x10000x64xf32, #tpu.memory_space<hbm>> -> memref<10000x64xf32, #tpu.memory_space<hbm>>
    %dma_start3A_234 = arith.constant 0 : i32
    %dma_start3A_235 = arith.constant 0 : i32
    %dma_start3A_236 = tpu.memref_slice %dma_start3A_233[%dma_start3A_234, %dma_start3A_235] : memref<10000x64xf32, #tpu.memory_space<hbm>> -> memref<10000x64xf32, #tpu.memory_space<hbm>>
    tpu.enqueue_indirect_dma source(%dma_start3A_236 : memref<10000x64xf32, #tpu.memory_space<hbm>>) target(%arg13 : memref<80x64xf32, #tpu.memory_space<vmem>>) offsets(%dma_start3A_229 : memref<80xi32, #tpu.memory_space<vmem>>) semaphore(%arg23 : memref<!tpu.dma_semaphore, #tpu.memory_space<semaphore_mem>>)
    %scan3A_237 = arith.constant 0 : i32
    %scan3A_238 = arith.constant 0 : i32
    %scan3A_239 = arith.constant 49 : i32
    %scan3A_240 = arith.addi %scan3A_238, %scan3A_239 : i32
    %scan3A_241 = arith.constant 1 : i32
    scf.for %scan3A_455 = %scan3A_238 to %scan3A_240 step %scan3A_241  : i32 {
      %mul3A_456 = arith.constant 5 : i32
      %mul3A_457 = arith.muli %mul3A_456, %scan3A_455 : i32
      %dma_wait3A_458 = arith.constant 0 : i32
      %dma_wait3A_459 = arith.constant 0 : i32
      %dma_wait3A_460 = tpu.memref_slice %arg7[%dma_wait3A_458, %dma_wait3A_459] : memref<250x80xi32, #tpu.memory_space<vmem>> -> memref<1x80xi32, #tpu.memory_space<vmem>>
      %dma_wait3A_461 = tpu.memref_squeeze %dma_wait3A_460 : memref<1x80xi32, #tpu.memory_space<vmem>> -> memref<80xi32, #tpu.memory_space<vmem>>
      %dma_wait3A_462 = arith.constant 0 : i32
      %dma_wait3A_463 = arith.constant 0 : i32
      %dma_wait3A_464 = tpu.memref_slice %arg2[%arg0, %dma_wait3A_462, %dma_wait3A_463] : memref<2x10000x64xf32, #tpu.memory_space<hbm>> -> memref<1x10000x64xf32, #tpu.memory_space<hbm>>
      %dma_wait3A_465 = tpu.memref_squeeze %dma_wait3A_464 : memref<1x10000x64xf32, #tpu.memory_space<hbm>> -> memref<10000x64xf32, #tpu.memory_space<hbm>>
      %dma_wait3A_466 = arith.constant 0 : i32
      %dma_wait3A_467 = arith.constant 0 : i32
      %dma_wait3A_468 = tpu.memref_slice %dma_wait3A_465[%dma_wait3A_466, %dma_wait3A_467] : memref<10000x64xf32, #tpu.memory_space<hbm>> -> memref<10000x64xf32, #tpu.memory_space<hbm>>
      tpu.wait_indirect_dma semaphore(%arg19 : memref<!tpu.dma_semaphore, #tpu.memory_space<semaphore_mem>>) src(%dma_wait3A_468 : memref<10000x64xf32, #tpu.memory_space<hbm>>) dst(%arg9 : memref<80x64xf32, #tpu.memory_space<vmem>>)
      %add3A_469 = arith.constant 0 : i32
      %add3A_470 = arith.addi %mul3A_457, %add3A_469 : i32
      %dma_start3A_471 = arith.constant 0 : i32
      %dma_start3A_472 = tpu.memref_slice %arg8[%add3A_470, %dma_start3A_471] : memref<250x80xi32, #tpu.memory_space<vmem>> -> memref<1x80xi32, #tpu.memory_space<vmem>>
      %dma_start3A_473 = tpu.memref_squeeze %dma_start3A_472 : memref<1x80xi32, #tpu.memory_space<vmem>> -> memref<80xi32, #tpu.memory_space<vmem>>
      %dma_start3A_474 = arith.constant 0 : i32
      %dma_start3A_475 = arith.constant 0 : i32
      %dma_start3A_476 = tpu.memref_slice %arg17[%dma_start3A_474, %dma_start3A_475] : memref<10000x64xf32, #tpu.memory_space<vmem_shared>> -> memref<10000x64xf32, #tpu.memory_space<vmem_shared>>
      tpu.enqueue_indirect_dma source(%arg9 : memref<80x64xf32, #tpu.memory_space<vmem>>) target(%dma_start3A_476 : memref<10000x64xf32, #tpu.memory_space<vmem_shared>>) offsets(%dma_start3A_473 : memref<80xi32, #tpu.memory_space<vmem>>) semaphore(%arg24 : memref<!tpu.dma_semaphore, #tpu.memory_space<semaphore_mem>>) {add = true}
      %rem3A_477 = arith.constant 2 : i32
      %rem3A_478 = arith.remsi %add3A_470, %rem3A_477 : i32
      %eq3A_479 = arith.cmpi eq, %rem3A_478, %arg0 : i32
      %convert_element_type3A_480 = arith.extui %eq3A_479 : i1 to i32
      %cond3A_481 = arith.constant 0 : i32
      %cond3A_482 = arith.cmpi ne, %convert_element_type3A_480, %cond3A_481 : i32
      scf.if %cond3A_482 {
        %dma_start3A_728 = arith.constant 0 : i32
        %dma_start3A_729 = tpu.memref_slice %arg8[%add3A_470, %dma_start3A_728] : memref<250x80xi32, #tpu.memory_space<vmem>> -> memref<1x80xi32, #tpu.memory_space<vmem>>
        %dma_start3A_730 = tpu.memref_squeeze %dma_start3A_729 : memref<1x80xi32, #tpu.memory_space<vmem>> -> memref<80xi32, #tpu.memory_space<vmem>>
        %dma_start3A_731 = arith.constant 0 : i32
        %dma_start3A_732 = arith.constant 0 : i32
        %dma_start3A_733 = tpu.memref_slice %arg18[%dma_start3A_731, %dma_start3A_732] : memref<10000x16xf32, #tpu.memory_space<vmem_shared>> -> memref<10000x16xf32, #tpu.memory_space<vmem_shared>>
        tpu.enqueue_indirect_dma source(%arg14 : memref<80x16xf32, #tpu.memory_space<vmem>>) target(%dma_start3A_733 : memref<10000x16xf32, #tpu.memory_space<vmem_shared>>) offsets(%dma_start3A_730 : memref<80xi32, #tpu.memory_space<vmem>>) semaphore(%arg24 : memref<!tpu.dma_semaphore, #tpu.memory_space<semaphore_mem>>) {add = true}
      } else {
      }
      %dma_wait3A_483 = arith.constant 0 : i32
      %dma_wait3A_484 = arith.constant 0 : i32
      %dma_wait3A_485 = tpu.memref_slice %arg7[%dma_wait3A_483, %dma_wait3A_484] : memref<250x80xi32, #tpu.memory_space<vmem>> -> memref<1x80xi32, #tpu.memory_space<vmem>>
      %dma_wait3A_486 = tpu.memref_squeeze %dma_wait3A_485 : memref<1x80xi32, #tpu.memory_space<vmem>> -> memref<80xi32, #tpu.memory_space<vmem>>
      %dma_wait3A_487 = arith.constant 0 : i32
      %dma_wait3A_488 = arith.constant 0 : i32
      %dma_wait3A_489 = tpu.memref_slice %arg2[%arg0, %dma_wait3A_487, %dma_wait3A_488] : memref<2x10000x64xf32, #tpu.memory_space<hbm>> -> memref<1x10000x64xf32, #tpu.memory_space<hbm>>
      %dma_wait3A_490 = tpu.memref_squeeze %dma_wait3A_489 : memref<1x10000x64xf32, #tpu.memory_space<hbm>> -> memref<10000x64xf32, #tpu.memory_space<hbm>>
      %dma_wait3A_491 = arith.constant 0 : i32
      %dma_wait3A_492 = arith.constant 0 : i32
      %dma_wait3A_493 = tpu.memref_slice %dma_wait3A_490[%dma_wait3A_491, %dma_wait3A_492] : memref<10000x64xf32, #tpu.memory_space<hbm>> -> memref<10000x64xf32, #tpu.memory_space<hbm>>
      tpu.wait_indirect_dma semaphore(%arg20 : memref<!tpu.dma_semaphore, #tpu.memory_space<semaphore_mem>>) src(%dma_wait3A_493 : memref<10000x64xf32, #tpu.memory_space<hbm>>) dst(%arg10 : memref<80x64xf32, #tpu.memory_space<vmem>>)
      %add3A_494 = arith.constant 1 : i32
      %add3A_495 = arith.addi %mul3A_457, %add3A_494 : i32
      %dma_start3A_496 = arith.constant 0 : i32
      %dma_start3A_497 = tpu.memref_slice %arg8[%add3A_495, %dma_start3A_496] : memref<250x80xi32, #tpu.memory_space<vmem>> -> memref<1x80xi32, #tpu.memory_space<vmem>>
      %dma_start3A_498 = tpu.memref_squeeze %dma_start3A_497 : memref<1x80xi32, #tpu.memory_space<vmem>> -> memref<80xi32, #tpu.memory_space<vmem>>
      %dma_start3A_499 = arith.constant 0 : i32
      %dma_start3A_500 = arith.constant 0 : i32
      %dma_start3A_501 = tpu.memref_slice %arg17[%dma_start3A_499, %dma_start3A_500] : memref<10000x64xf32, #tpu.memory_space<vmem_shared>> -> memref<10000x64xf32, #tpu.memory_space<vmem_shared>>
      tpu.enqueue_indirect_dma source(%arg10 : memref<80x64xf32, #tpu.memory_space<vmem>>) target(%dma_start3A_501 : memref<10000x64xf32, #tpu.memory_space<vmem_shared>>) offsets(%dma_start3A_498 : memref<80xi32, #tpu.memory_space<vmem>>) semaphore(%arg25 : memref<!tpu.dma_semaphore, #tpu.memory_space<semaphore_mem>>) {add = true}
      %rem3A_502 = arith.constant 2 : i32
      %rem3A_503 = arith.remsi %add3A_495, %rem3A_502 : i32
      %eq3A_504 = arith.cmpi eq, %rem3A_503, %arg0 : i32
      %convert_element_type3A_505 = arith.extui %eq3A_504 : i1 to i32
      %cond3A_506 = arith.constant 0 : i32
      %cond3A_507 = arith.cmpi ne, %convert_element_type3A_505, %cond3A_506 : i32
      scf.if %cond3A_507 {
        %dma_start3A_728 = arith.constant 0 : i32
        %dma_start3A_729 = tpu.memref_slice %arg8[%add3A_495, %dma_start3A_728] : memref<250x80xi32, #tpu.memory_space<vmem>> -> memref<1x80xi32, #tpu.memory_space<vmem>>
        %dma_start3A_730 = tpu.memref_squeeze %dma_start3A_729 : memref<1x80xi32, #tpu.memory_space<vmem>> -> memref<80xi32, #tpu.memory_space<vmem>>
        %dma_start3A_731 = arith.constant 0 : i32
        %dma_start3A_732 = arith.constant 0 : i32
        %dma_start3A_733 = tpu.memref_slice %arg18[%dma_start3A_731, %dma_start3A_732] : memref<10000x16xf32, #tpu.memory_space<vmem_shared>> -> memref<10000x16xf32, #tpu.memory_space<vmem_shared>>
        tpu.enqueue_indirect_dma source(%arg14 : memref<80x16xf32, #tpu.memory_space<vmem>>) target(%dma_start3A_733 : memref<10000x16xf32, #tpu.memory_space<vmem_shared>>) offsets(%dma_start3A_730 : memref<80xi32, #tpu.memory_space<vmem>>) semaphore(%arg25 : memref<!tpu.dma_semaphore, #tpu.memory_space<semaphore_mem>>) {add = true}
      } else {
      }
      %dma_wait3A_508 = arith.constant 0 : i32
      %dma_wait3A_509 = arith.constant 0 : i32
      %dma_wait3A_510 = tpu.memref_slice %arg7[%dma_wait3A_508, %dma_wait3A_509] : memref<250x80xi32, #tpu.memory_space<vmem>> -> memref<1x80xi32, #tpu.memory_space<vmem>>
      %dma_wait3A_511 = tpu.memref_squeeze %dma_wait3A_510 : memref<1x80xi32, #tpu.memory_space<vmem>> -> memref<80xi32, #tpu.memory_space<vmem>>
      %dma_wait3A_512 = arith.constant 0 : i32
      %dma_wait3A_513 = arith.constant 0 : i32
      %dma_wait3A_514 = tpu.memref_slice %arg2[%arg0, %dma_wait3A_512, %dma_wait3A_513] : memref<2x10000x64xf32, #tpu.memory_space<hbm>> -> memref<1x10000x64xf32, #tpu.memory_space<hbm>>
      %dma_wait3A_515 = tpu.memref_squeeze %dma_wait3A_514 : memref<1x10000x64xf32, #tpu.memory_space<hbm>> -> memref<10000x64xf32, #tpu.memory_space<hbm>>
      %dma_wait3A_516 = arith.constant 0 : i32
      %dma_wait3A_517 = arith.constant 0 : i32
      %dma_wait3A_518 = tpu.memref_slice %dma_wait3A_515[%dma_wait3A_516, %dma_wait3A_517] : memref<10000x64xf32, #tpu.memory_space<hbm>> -> memref<10000x64xf32, #tpu.memory_space<hbm>>
      tpu.wait_indirect_dma semaphore(%arg21 : memref<!tpu.dma_semaphore, #tpu.memory_space<semaphore_mem>>) src(%dma_wait3A_518 : memref<10000x64xf32, #tpu.memory_space<hbm>>) dst(%arg11 : memref<80x64xf32, #tpu.memory_space<vmem>>)
      %add3A_519 = arith.constant 2 : i32
      %add3A_520 = arith.addi %mul3A_457, %add3A_519 : i32
      %dma_start3A_521 = arith.constant 0 : i32
      %dma_start3A_522 = tpu.memref_slice %arg8[%add3A_520, %dma_start3A_521] : memref<250x80xi32, #tpu.memory_space<vmem>> -> memref<1x80xi32, #tpu.memory_space<vmem>>
      %dma_start3A_523 = tpu.memref_squeeze %dma_start3A_522 : memref<1x80xi32, #tpu.memory_space<vmem>> -> memref<80xi32, #tpu.memory_space<vmem>>
      %dma_start3A_524 = arith.constant 0 : i32
      %dma_start3A_525 = arith.constant 0 : i32
      %dma_start3A_526 = tpu.memref_slice %arg17[%dma_start3A_524, %dma_start3A_525] : memref<10000x64xf32, #tpu.memory_space<vmem_shared>> -> memref<10000x64xf32, #tpu.memory_space<vmem_shared>>
      tpu.enqueue_indirect_dma source(%arg11 : memref<80x64xf32, #tpu.memory_space<vmem>>) target(%dma_start3A_526 : memref<10000x64xf32, #tpu.memory_space<vmem_shared>>) offsets(%dma_start3A_523 : memref<80xi32, #tpu.memory_space<vmem>>) semaphore(%arg26 : memref<!tpu.dma_semaphore, #tpu.memory_space<semaphore_mem>>) {add = true}
      %rem3A_527 = arith.constant 2 : i32
      %rem3A_528 = arith.remsi %add3A_520, %rem3A_527 : i32
      %eq3A_529 = arith.cmpi eq, %rem3A_528, %arg0 : i32
      %convert_element_type3A_530 = arith.extui %eq3A_529 : i1 to i32
      %cond3A_531 = arith.constant 0 : i32
      %cond3A_532 = arith.cmpi ne, %convert_element_type3A_530, %cond3A_531 : i32
      scf.if %cond3A_532 {
        %dma_start3A_728 = arith.constant 0 : i32
        %dma_start3A_729 = tpu.memref_slice %arg8[%add3A_520, %dma_start3A_728] : memref<250x80xi32, #tpu.memory_space<vmem>> -> memref<1x80xi32, #tpu.memory_space<vmem>>
        %dma_start3A_730 = tpu.memref_squeeze %dma_start3A_729 : memref<1x80xi32, #tpu.memory_space<vmem>> -> memref<80xi32, #tpu.memory_space<vmem>>
        %dma_start3A_731 = arith.constant 0 : i32
        %dma_start3A_732 = arith.constant 0 : i32
        %dma_start3A_733 = tpu.memref_slice %arg18[%dma_start3A_731, %dma_start3A_732] : memref<10000x16xf32, #tpu.memory_space<vmem_shared>> -> memref<10000x16xf32, #tpu.memory_space<vmem_shared>>
        tpu.enqueue_indirect_dma source(%arg14 : memref<80x16xf32, #tpu.memory_space<vmem>>) target(%dma_start3A_733 : memref<10000x16xf32, #tpu.memory_space<vmem_shared>>) offsets(%dma_start3A_730 : memref<80xi32, #tpu.memory_space<vmem>>) semaphore(%arg26 : memref<!tpu.dma_semaphore, #tpu.memory_space<semaphore_mem>>) {add = true}
      } else {
      }
      %dma_wait3A_533 = arith.constant 0 : i32
      %dma_wait3A_534 = arith.constant 0 : i32
      %dma_wait3A_535 = tpu.memref_slice %arg7[%dma_wait3A_533, %dma_wait3A_534] : memref<250x80xi32, #tpu.memory_space<vmem>> -> memref<1x80xi32, #tpu.memory_space<vmem>>
      %dma_wait3A_536 = tpu.memref_squeeze %dma_wait3A_535 : memref<1x80xi32, #tpu.memory_space<vmem>> -> memref<80xi32, #tpu.memory_space<vmem>>
      %dma_wait3A_537 = arith.constant 0 : i32
      %dma_wait3A_538 = arith.constant 0 : i32
      %dma_wait3A_539 = tpu.memref_slice %arg2[%arg0, %dma_wait3A_537, %dma_wait3A_538] : memref<2x10000x64xf32, #tpu.memory_space<hbm>> -> memref<1x10000x64xf32, #tpu.memory_space<hbm>>
      %dma_wait3A_540 = tpu.memref_squeeze %dma_wait3A_539 : memref<1x10000x64xf32, #tpu.memory_space<hbm>> -> memref<10000x64xf32, #tpu.memory_space<hbm>>
      %dma_wait3A_541 = arith.constant 0 : i32
      %dma_wait3A_542 = arith.constant 0 : i32
      %dma_wait3A_543 = tpu.memref_slice %dma_wait3A_540[%dma_wait3A_541, %dma_wait3A_542] : memref<10000x64xf32, #tpu.memory_space<hbm>> -> memref<10000x64xf32, #tpu.memory_space<hbm>>
      tpu.wait_indirect_dma semaphore(%arg22 : memref<!tpu.dma_semaphore, #tpu.memory_space<semaphore_mem>>) src(%dma_wait3A_543 : memref<10000x64xf32, #tpu.memory_space<hbm>>) dst(%arg12 : memref<80x64xf32, #tpu.memory_space<vmem>>)
      %add3A_544 = arith.constant 3 : i32
      %add3A_545 = arith.addi %mul3A_457, %add3A_544 : i32
      %dma_start3A_546 = arith.constant 0 : i32
      %dma_start3A_547 = tpu.memref_slice %arg8[%add3A_545, %dma_start3A_546] : memref<250x80xi32, #tpu.memory_space<vmem>> -> memref<1x80xi32, #tpu.memory_space<vmem>>
      %dma_start3A_548 = tpu.memref_squeeze %dma_start3A_547 : memref<1x80xi32, #tpu.memory_space<vmem>> -> memref<80xi32, #tpu.memory_space<vmem>>
      %dma_start3A_549 = arith.constant 0 : i32
      %dma_start3A_550 = arith.constant 0 : i32
      %dma_start3A_551 = tpu.memref_slice %arg17[%dma_start3A_549, %dma_start3A_550] : memref<10000x64xf32, #tpu.memory_space<vmem_shared>> -> memref<10000x64xf32, #tpu.memory_space<vmem_shared>>
      tpu.enqueue_indirect_dma source(%arg12 : memref<80x64xf32, #tpu.memory_space<vmem>>) target(%dma_start3A_551 : memref<10000x64xf32, #tpu.memory_space<vmem_shared>>) offsets(%dma_start3A_548 : memref<80xi32, #tpu.memory_space<vmem>>) semaphore(%arg27 : memref<!tpu.dma_semaphore, #tpu.memory_space<semaphore_mem>>) {add = true}
      %rem3A_552 = arith.constant 2 : i32
      %rem3A_553 = arith.remsi %add3A_545, %rem3A_552 : i32
      %eq3A_554 = arith.cmpi eq, %rem3A_553, %arg0 : i32
      %convert_element_type3A_555 = arith.extui %eq3A_554 : i1 to i32
      %cond3A_556 = arith.constant 0 : i32
      %cond3A_557 = arith.cmpi ne, %convert_element_type3A_555, %cond3A_556 : i32
      scf.if %cond3A_557 {
        %dma_start3A_728 = arith.constant 0 : i32
        %dma_start3A_729 = tpu.memref_slice %arg8[%add3A_545, %dma_start3A_728] : memref<250x80xi32, #tpu.memory_space<vmem>> -> memref<1x80xi32, #tpu.memory_space<vmem>>
        %dma_start3A_730 = tpu.memref_squeeze %dma_start3A_729 : memref<1x80xi32, #tpu.memory_space<vmem>> -> memref<80xi32, #tpu.memory_space<vmem>>
        %dma_start3A_731 = arith.constant 0 : i32
        %dma_start3A_732 = arith.constant 0 : i32
        %dma_start3A_733 = tpu.memref_slice %arg18[%dma_start3A_731, %dma_start3A_732] : memref<10000x16xf32, #tpu.memory_space<vmem_shared>> -> memref<10000x16xf32, #tpu.memory_space<vmem_shared>>
        tpu.enqueue_indirect_dma source(%arg14 : memref<80x16xf32, #tpu.memory_space<vmem>>) target(%dma_start3A_733 : memref<10000x16xf32, #tpu.memory_space<vmem_shared>>) offsets(%dma_start3A_730 : memref<80xi32, #tpu.memory_space<vmem>>) semaphore(%arg27 : memref<!tpu.dma_semaphore, #tpu.memory_space<semaphore_mem>>) {add = true}
      } else {
      }
      %dma_wait3A_558 = arith.constant 0 : i32
      %dma_wait3A_559 = arith.constant 0 : i32
      %dma_wait3A_560 = tpu.memref_slice %arg7[%dma_wait3A_558, %dma_wait3A_559] : memref<250x80xi32, #tpu.memory_space<vmem>> -> memref<1x80xi32, #tpu.memory_space<vmem>>
      %dma_wait3A_561 = tpu.memref_squeeze %dma_wait3A_560 : memref<1x80xi32, #tpu.memory_space<vmem>> -> memref<80xi32, #tpu.memory_space<vmem>>
      %dma_wait3A_562 = arith.constant 0 : i32
      %dma_wait3A_563 = arith.constant 0 : i32
      %dma_wait3A_564 = tpu.memref_slice %arg2[%arg0, %dma_wait3A_562, %dma_wait3A_563] : memref<2x10000x64xf32, #tpu.memory_space<hbm>> -> memref<1x10000x64xf32, #tpu.memory_space<hbm>>
      %dma_wait3A_565 = tpu.memref_squeeze %dma_wait3A_564 : memref<1x10000x64xf32, #tpu.memory_space<hbm>> -> memref<10000x64xf32, #tpu.memory_space<hbm>>
      %dma_wait3A_566 = arith.constant 0 : i32
      %dma_wait3A_567 = arith.constant 0 : i32
      %dma_wait3A_568 = tpu.memref_slice %dma_wait3A_565[%dma_wait3A_566, %dma_wait3A_567] : memref<10000x64xf32, #tpu.memory_space<hbm>> -> memref<10000x64xf32, #tpu.memory_space<hbm>>
      tpu.wait_indirect_dma semaphore(%arg23 : memref<!tpu.dma_semaphore, #tpu.memory_space<semaphore_mem>>) src(%dma_wait3A_568 : memref<10000x64xf32, #tpu.memory_space<hbm>>) dst(%arg13 : memref<80x64xf32, #tpu.memory_space<vmem>>)
      %add3A_569 = arith.constant 4 : i32
      %add3A_570 = arith.addi %mul3A_457, %add3A_569 : i32
      %dma_start3A_571 = arith.constant 0 : i32
      %dma_start3A_572 = tpu.memref_slice %arg8[%add3A_570, %dma_start3A_571] : memref<250x80xi32, #tpu.memory_space<vmem>> -> memref<1x80xi32, #tpu.memory_space<vmem>>
      %dma_start3A_573 = tpu.memref_squeeze %dma_start3A_572 : memref<1x80xi32, #tpu.memory_space<vmem>> -> memref<80xi32, #tpu.memory_space<vmem>>
      %dma_start3A_574 = arith.constant 0 : i32
      %dma_start3A_575 = arith.constant 0 : i32
      %dma_start3A_576 = tpu.memref_slice %arg17[%dma_start3A_574, %dma_start3A_575] : memref<10000x64xf32, #tpu.memory_space<vmem_shared>> -> memref<10000x64xf32, #tpu.memory_space<vmem_shared>>
      tpu.enqueue_indirect_dma source(%arg13 : memref<80x64xf32, #tpu.memory_space<vmem>>) target(%dma_start3A_576 : memref<10000x64xf32, #tpu.memory_space<vmem_shared>>) offsets(%dma_start3A_573 : memref<80xi32, #tpu.memory_space<vmem>>) semaphore(%arg28 : memref<!tpu.dma_semaphore, #tpu.memory_space<semaphore_mem>>) {add = true}
      %rem3A_577 = arith.constant 2 : i32
      %rem3A_578 = arith.remsi %add3A_570, %rem3A_577 : i32
      %eq3A_579 = arith.cmpi eq, %rem3A_578, %arg0 : i32
      %convert_element_type3A_580 = arith.extui %eq3A_579 : i1 to i32
      %cond3A_581 = arith.constant 0 : i32
      %cond3A_582 = arith.cmpi ne, %convert_element_type3A_580, %cond3A_581 : i32
      scf.if %cond3A_582 {
        %dma_start3A_728 = arith.constant 0 : i32
        %dma_start3A_729 = tpu.memref_slice %arg8[%add3A_570, %dma_start3A_728] : memref<250x80xi32, #tpu.memory_space<vmem>> -> memref<1x80xi32, #tpu.memory_space<vmem>>
        %dma_start3A_730 = tpu.memref_squeeze %dma_start3A_729 : memref<1x80xi32, #tpu.memory_space<vmem>> -> memref<80xi32, #tpu.memory_space<vmem>>
        %dma_start3A_731 = arith.constant 0 : i32
        %dma_start3A_732 = arith.constant 0 : i32
        %dma_start3A_733 = tpu.memref_slice %arg18[%dma_start3A_731, %dma_start3A_732] : memref<10000x16xf32, #tpu.memory_space<vmem_shared>> -> memref<10000x16xf32, #tpu.memory_space<vmem_shared>>
        tpu.enqueue_indirect_dma source(%arg14 : memref<80x16xf32, #tpu.memory_space<vmem>>) target(%dma_start3A_733 : memref<10000x16xf32, #tpu.memory_space<vmem_shared>>) offsets(%dma_start3A_730 : memref<80xi32, #tpu.memory_space<vmem>>) semaphore(%arg28 : memref<!tpu.dma_semaphore, #tpu.memory_space<semaphore_mem>>) {add = true}
      } else {
      }
      %add3A_583 = arith.constant 0 : i32
      %add3A_584 = arith.addi %mul3A_457, %add3A_583 : i32
      %dma_wait3A_585 = arith.constant 0 : i32
      %dma_wait3A_586 = arith.constant 0 : i32
      %dma_wait3A_587 = tpu.memref_slice %arg8[%dma_wait3A_585, %dma_wait3A_586] : memref<250x80xi32, #tpu.memory_space<vmem>> -> memref<1x80xi32, #tpu.memory_space<vmem>>
      %dma_wait3A_588 = tpu.memref_squeeze %dma_wait3A_587 : memref<1x80xi32, #tpu.memory_space<vmem>> -> memref<80xi32, #tpu.memory_space<vmem>>
      %dma_wait3A_589 = arith.constant 0 : i32
      %dma_wait3A_590 = arith.constant 0 : i32
      %dma_wait3A_591 = tpu.memref_slice %arg17[%dma_wait3A_589, %dma_wait3A_590] : memref<10000x64xf32, #tpu.memory_space<vmem_shared>> -> memref<10000x64xf32, #tpu.memory_space<vmem_shared>>
      tpu.wait_indirect_dma semaphore(%arg24 : memref<!tpu.dma_semaphore, #tpu.memory_space<semaphore_mem>>) src(%arg9 : memref<80x64xf32, #tpu.memory_space<vmem>>) dst(%dma_wait3A_591 : memref<10000x64xf32, #tpu.memory_space<vmem_shared>>)
      %rem3A_592 = arith.constant 2 : i32
      %rem3A_593 = arith.remsi %add3A_584, %rem3A_592 : i32
      %eq3A_594 = arith.cmpi eq, %rem3A_593, %arg0 : i32
      %convert_element_type3A_595 = arith.extui %eq3A_594 : i1 to i32
      %cond3A_596 = arith.constant 0 : i32
      %cond3A_597 = arith.cmpi ne, %convert_element_type3A_595, %cond3A_596 : i32
      scf.if %cond3A_597 {
        %dma_wait3A_728 = arith.constant 0 : i32
        %dma_wait3A_729 = arith.constant 0 : i32
        %dma_wait3A_730 = tpu.memref_slice %arg8[%dma_wait3A_728, %dma_wait3A_729] : memref<250x80xi32, #tpu.memory_space<vmem>> -> memref<1x80xi32, #tpu.memory_space<vmem>>
        %dma_wait3A_731 = tpu.memref_squeeze %dma_wait3A_730 : memref<1x80xi32, #tpu.memory_space<vmem>> -> memref<80xi32, #tpu.memory_space<vmem>>
        %dma_wait3A_732 = arith.constant 0 : i32
        %dma_wait3A_733 = arith.constant 0 : i32
        %dma_wait3A_734 = tpu.memref_slice %arg18[%dma_wait3A_732, %dma_wait3A_733] : memref<10000x16xf32, #tpu.memory_space<vmem_shared>> -> memref<10000x16xf32, #tpu.memory_space<vmem_shared>>
        tpu.wait_indirect_dma semaphore(%arg24 : memref<!tpu.dma_semaphore, #tpu.memory_space<semaphore_mem>>) src(%arg14 : memref<80x16xf32, #tpu.memory_space<vmem>>) dst(%dma_wait3A_734 : memref<10000x16xf32, #tpu.memory_space<vmem_shared>>)
      } else {
      }
      %add3A_598 = arith.constant 0 : i32
      %add3A_599 = arith.addi %mul3A_457, %add3A_598 : i32
      %add3A_600 = arith.constant 5 : i32
      %add3A_601 = arith.addi %add3A_599, %add3A_600 : i32
      %dma_start3A_602 = arith.constant 0 : i32
      %dma_start3A_603 = tpu.memref_slice %arg7[%add3A_601, %dma_start3A_602] : memref<250x80xi32, #tpu.memory_space<vmem>> -> memref<1x80xi32, #tpu.memory_space<vmem>>
      %dma_start3A_604 = tpu.memref_squeeze %dma_start3A_603 : memref<1x80xi32, #tpu.memory_space<vmem>> -> memref<80xi32, #tpu.memory_space<vmem>>
      %dma_start3A_605 = arith.constant 0 : i32
      %dma_start3A_606 = arith.constant 0 : i32
      %dma_start3A_607 = tpu.memref_slice %arg2[%arg0, %dma_start3A_605, %dma_start3A_606] : memref<2x10000x64xf32, #tpu.memory_space<hbm>> -> memref<1x10000x64xf32, #tpu.memory_space<hbm>>
      %dma_start3A_608 = tpu.memref_squeeze %dma_start3A_607 : memref<1x10000x64xf32, #tpu.memory_space<hbm>> -> memref<10000x64xf32, #tpu.memory_space<hbm>>
      %dma_start3A_609 = arith.constant 0 : i32
      %dma_start3A_610 = arith.constant 0 : i32
      %dma_start3A_611 = tpu.memref_slice %dma_start3A_608[%dma_start3A_609, %dma_start3A_610] : memref<10000x64xf32, #tpu.memory_space<hbm>> -> memref<10000x64xf32, #tpu.memory_space<hbm>>
      tpu.enqueue_indirect_dma source(%dma_start3A_611 : memref<10000x64xf32, #tpu.memory_space<hbm>>) target(%arg9 : memref<80x64xf32, #tpu.memory_space<vmem>>) offsets(%dma_start3A_604 : memref<80xi32, #tpu.memory_space<vmem>>) semaphore(%arg19 : memref<!tpu.dma_semaphore, #tpu.memory_space<semaphore_mem>>)
      %add3A_612 = arith.constant 1 : i32
      %add3A_613 = arith.addi %mul3A_457, %add3A_612 : i32
      %dma_wait3A_614 = arith.constant 0 : i32
      %dma_wait3A_615 = arith.constant 0 : i32
      %dma_wait3A_616 = tpu.memref_slice %arg8[%dma_wait3A_614, %dma_wait3A_615] : memref<250x80xi32, #tpu.memory_space<vmem>> -> memref<1x80xi32, #tpu.memory_space<vmem>>
      %dma_wait3A_617 = tpu.memref_squeeze %dma_wait3A_616 : memref<1x80xi32, #tpu.memory_space<vmem>> -> memref<80xi32, #tpu.memory_space<vmem>>
      %dma_wait3A_618 = arith.constant 0 : i32
      %dma_wait3A_619 = arith.constant 0 : i32
      %dma_wait3A_620 = tpu.memref_slice %arg17[%dma_wait3A_618, %dma_wait3A_619] : memref<10000x64xf32, #tpu.memory_space<vmem_shared>> -> memref<10000x64xf32, #tpu.memory_space<vmem_shared>>
      tpu.wait_indirect_dma semaphore(%arg25 : memref<!tpu.dma_semaphore, #tpu.memory_space<semaphore_mem>>) src(%arg10 : memref<80x64xf32, #tpu.memory_space<vmem>>) dst(%dma_wait3A_620 : memref<10000x64xf32, #tpu.memory_space<vmem_shared>>)
      %rem3A_621 = arith.constant 2 : i32
      %rem3A_622 = arith.remsi %add3A_613, %rem3A_621 : i32
      %eq3A_623 = arith.cmpi eq, %rem3A_622, %arg0 : i32
      %convert_element_type3A_624 = arith.extui %eq3A_623 : i1 to i32
      %cond3A_625 = arith.constant 0 : i32
      %cond3A_626 = arith.cmpi ne, %convert_element_type3A_624, %cond3A_625 : i32
      scf.if %cond3A_626 {
        %dma_wait3A_728 = arith.constant 0 : i32
        %dma_wait3A_729 = arith.constant 0 : i32
        %dma_wait3A_730 = tpu.memref_slice %arg8[%dma_wait3A_728, %dma_wait3A_729] : memref<250x80xi32, #tpu.memory_space<vmem>> -> memref<1x80xi32, #tpu.memory_space<vmem>>
        %dma_wait3A_731 = tpu.memref_squeeze %dma_wait3A_730 : memref<1x80xi32, #tpu.memory_space<vmem>> -> memref<80xi32, #tpu.memory_space<vmem>>
        %dma_wait3A_732 = arith.constant 0 : i32
        %dma_wait3A_733 = arith.constant 0 : i32
        %dma_wait3A_734 = tpu.memref_slice %arg18[%dma_wait3A_732, %dma_wait3A_733] : memref<10000x16xf32, #tpu.memory_space<vmem_shared>> -> memref<10000x16xf32, #tpu.memory_space<vmem_shared>>
        tpu.wait_indirect_dma semaphore(%arg25 : memref<!tpu.dma_semaphore, #tpu.memory_space<semaphore_mem>>) src(%arg14 : memref<80x16xf32, #tpu.memory_space<vmem>>) dst(%dma_wait3A_734 : memref<10000x16xf32, #tpu.memory_space<vmem_shared>>)
      } else {
      }
      %add3A_627 = arith.constant 1 : i32
      %add3A_628 = arith.addi %mul3A_457, %add3A_627 : i32
      %add3A_629 = arith.constant 5 : i32
      %add3A_630 = arith.addi %add3A_628, %add3A_629 : i32
      %dma_start3A_631 = arith.constant 0 : i32
      %dma_start3A_632 = tpu.memref_slice %arg7[%add3A_630, %dma_start3A_631] : memref<250x80xi32, #tpu.memory_space<vmem>> -> memref<1x80xi32, #tpu.memory_space<vmem>>
      %dma_start3A_633 = tpu.memref_squeeze %dma_start3A_632 : memref<1x80xi32, #tpu.memory_space<vmem>> -> memref<80xi32, #tpu.memory_space<vmem>>
      %dma_start3A_634 = arith.constant 0 : i32
      %dma_start3A_635 = arith.constant 0 : i32
      %dma_start3A_636 = tpu.memref_slice %arg2[%arg0, %dma_start3A_634, %dma_start3A_635] : memref<2x10000x64xf32, #tpu.memory_space<hbm>> -> memref<1x10000x64xf32, #tpu.memory_space<hbm>>
      %dma_start3A_637 = tpu.memref_squeeze %dma_start3A_636 : memref<1x10000x64xf32, #tpu.memory_space<hbm>> -> memref<10000x64xf32, #tpu.memory_space<hbm>>
      %dma_start3A_638 = arith.constant 0 : i32
      %dma_start3A_639 = arith.constant 0 : i32
      %dma_start3A_640 = tpu.memref_slice %dma_start3A_637[%dma_start3A_638, %dma_start3A_639] : memref<10000x64xf32, #tpu.memory_space<hbm>> -> memref<10000x64xf32, #tpu.memory_space<hbm>>
      tpu.enqueue_indirect_dma source(%dma_start3A_640 : memref<10000x64xf32, #tpu.memory_space<hbm>>) target(%arg10 : memref<80x64xf32, #tpu.memory_space<vmem>>) offsets(%dma_start3A_633 : memref<80xi32, #tpu.memory_space<vmem>>) semaphore(%arg20 : memref<!tpu.dma_semaphore, #tpu.memory_space<semaphore_mem>>)
      %add3A_641 = arith.constant 2 : i32
      %add3A_642 = arith.addi %mul3A_457, %add3A_641 : i32
      %dma_wait3A_643 = arith.constant 0 : i32
      %dma_wait3A_644 = arith.constant 0 : i32
      %dma_wait3A_645 = tpu.memref_slice %arg8[%dma_wait3A_643, %dma_wait3A_644] : memref<250x80xi32, #tpu.memory_space<vmem>> -> memref<1x80xi32, #tpu.memory_space<vmem>>
      %dma_wait3A_646 = tpu.memref_squeeze %dma_wait3A_645 : memref<1x80xi32, #tpu.memory_space<vmem>> -> memref<80xi32, #tpu.memory_space<vmem>>
      %dma_wait3A_647 = arith.constant 0 : i32
      %dma_wait3A_648 = arith.constant 0 : i32
      %dma_wait3A_649 = tpu.memref_slice %arg17[%dma_wait3A_647, %dma_wait3A_648] : memref<10000x64xf32, #tpu.memory_space<vmem_shared>> -> memref<10000x64xf32, #tpu.memory_space<vmem_shared>>
      tpu.wait_indirect_dma semaphore(%arg26 : memref<!tpu.dma_semaphore, #tpu.memory_space<semaphore_mem>>) src(%arg11 : memref<80x64xf32, #tpu.memory_space<vmem>>) dst(%dma_wait3A_649 : memref<10000x64xf32, #tpu.memory_space<vmem_shared>>)
      %rem3A_650 = arith.constant 2 : i32
      %rem3A_651 = arith.remsi %add3A_642, %rem3A_650 : i32
      %eq3A_652 = arith.cmpi eq, %rem3A_651, %arg0 : i32
      %convert_element_type3A_653 = arith.extui %eq3A_652 : i1 to i32
      %cond3A_654 = arith.constant 0 : i32
      %cond3A_655 = arith.cmpi ne, %convert_element_type3A_653, %cond3A_654 : i32
      scf.if %cond3A_655 {
        %dma_wait3A_728 = arith.constant 0 : i32
        %dma_wait3A_729 = arith.constant 0 : i32
        %dma_wait3A_730 = tpu.memref_slice %arg8[%dma_wait3A_728, %dma_wait3A_729] : memref<250x80xi32, #tpu.memory_space<vmem>> -> memref<1x80xi32, #tpu.memory_space<vmem>>
        %dma_wait3A_731 = tpu.memref_squeeze %dma_wait3A_730 : memref<1x80xi32, #tpu.memory_space<vmem>> -> memref<80xi32, #tpu.memory_space<vmem>>
        %dma_wait3A_732 = arith.constant 0 : i32
        %dma_wait3A_733 = arith.constant 0 : i32
        %dma_wait3A_734 = tpu.memref_slice %arg18[%dma_wait3A_732, %dma_wait3A_733] : memref<10000x16xf32, #tpu.memory_space<vmem_shared>> -> memref<10000x16xf32, #tpu.memory_space<vmem_shared>>
        tpu.wait_indirect_dma semaphore(%arg26 : memref<!tpu.dma_semaphore, #tpu.memory_space<semaphore_mem>>) src(%arg14 : memref<80x16xf32, #tpu.memory_space<vmem>>) dst(%dma_wait3A_734 : memref<10000x16xf32, #tpu.memory_space<vmem_shared>>)
      } else {
      }
      %add3A_656 = arith.constant 2 : i32
      %add3A_657 = arith.addi %mul3A_457, %add3A_656 : i32
      %add3A_658 = arith.constant 5 : i32
      %add3A_659 = arith.addi %add3A_657, %add3A_658 : i32
      %dma_start3A_660 = arith.constant 0 : i32
      %dma_start3A_661 = tpu.memref_slice %arg7[%add3A_659, %dma_start3A_660] : memref<250x80xi32, #tpu.memory_space<vmem>> -> memref<1x80xi32, #tpu.memory_space<vmem>>
      %dma_start3A_662 = tpu.memref_squeeze %dma_start3A_661 : memref<1x80xi32, #tpu.memory_space<vmem>> -> memref<80xi32, #tpu.memory_space<vmem>>
      %dma_start3A_663 = arith.constant 0 : i32
      %dma_start3A_664 = arith.constant 0 : i32
      %dma_start3A_665 = tpu.memref_slice %arg2[%arg0, %dma_start3A_663, %dma_start3A_664] : memref<2x10000x64xf32, #tpu.memory_space<hbm>> -> memref<1x10000x64xf32, #tpu.memory_space<hbm>>
      %dma_start3A_666 = tpu.memref_squeeze %dma_start3A_665 : memref<1x10000x64xf32, #tpu.memory_space<hbm>> -> memref<10000x64xf32, #tpu.memory_space<hbm>>
      %dma_start3A_667 = arith.constant 0 : i32
      %dma_start3A_668 = arith.constant 0 : i32
      %dma_start3A_669 = tpu.memref_slice %dma_start3A_666[%dma_start3A_667, %dma_start3A_668] : memref<10000x64xf32, #tpu.memory_space<hbm>> -> memref<10000x64xf32, #tpu.memory_space<hbm>>
      tpu.enqueue_indirect_dma source(%dma_start3A_669 : memref<10000x64xf32, #tpu.memory_space<hbm>>) target(%arg11 : memref<80x64xf32, #tpu.memory_space<vmem>>) offsets(%dma_start3A_662 : memref<80xi32, #tpu.memory_space<vmem>>) semaphore(%arg21 : memref<!tpu.dma_semaphore, #tpu.memory_space<semaphore_mem>>)
      %add3A_670 = arith.constant 3 : i32
      %add3A_671 = arith.addi %mul3A_457, %add3A_670 : i32
      %dma_wait3A_672 = arith.constant 0 : i32
      %dma_wait3A_673 = arith.constant 0 : i32
      %dma_wait3A_674 = tpu.memref_slice %arg8[%dma_wait3A_672, %dma_wait3A_673] : memref<250x80xi32, #tpu.memory_space<vmem>> -> memref<1x80xi32, #tpu.memory_space<vmem>>
      %dma_wait3A_675 = tpu.memref_squeeze %dma_wait3A_674 : memref<1x80xi32, #tpu.memory_space<vmem>> -> memref<80xi32, #tpu.memory_space<vmem>>
      %dma_wait3A_676 = arith.constant 0 : i32
      %dma_wait3A_677 = arith.constant 0 : i32
      %dma_wait3A_678 = tpu.memref_slice %arg17[%dma_wait3A_676, %dma_wait3A_677] : memref<10000x64xf32, #tpu.memory_space<vmem_shared>> -> memref<10000x64xf32, #tpu.memory_space<vmem_shared>>
      tpu.wait_indirect_dma semaphore(%arg27 : memref<!tpu.dma_semaphore, #tpu.memory_space<semaphore_mem>>) src(%arg12 : memref<80x64xf32, #tpu.memory_space<vmem>>) dst(%dma_wait3A_678 : memref<10000x64xf32, #tpu.memory_space<vmem_shared>>)
      %rem3A_679 = arith.constant 2 : i32
      %rem3A_680 = arith.remsi %add3A_671, %rem3A_679 : i32
      %eq3A_681 = arith.cmpi eq, %rem3A_680, %arg0 : i32
      %convert_element_type3A_682 = arith.extui %eq3A_681 : i1 to i32
      %cond3A_683 = arith.constant 0 : i32
      %cond3A_684 = arith.cmpi ne, %convert_element_type3A_682, %cond3A_683 : i32
      scf.if %cond3A_684 {
        %dma_wait3A_728 = arith.constant 0 : i32
        %dma_wait3A_729 = arith.constant 0 : i32
        %dma_wait3A_730 = tpu.memref_slice %arg8[%dma_wait3A_728, %dma_wait3A_729] : memref<250x80xi32, #tpu.memory_space<vmem>> -> memref<1x80xi32, #tpu.memory_space<vmem>>
        %dma_wait3A_731 = tpu.memref_squeeze %dma_wait3A_730 : memref<1x80xi32, #tpu.memory_space<vmem>> -> memref<80xi32, #tpu.memory_space<vmem>>
        %dma_wait3A_732 = arith.constant 0 : i32
        %dma_wait3A_733 = arith.constant 0 : i32
        %dma_wait3A_734 = tpu.memref_slice %arg18[%dma_wait3A_732, %dma_wait3A_733] : memref<10000x16xf32, #tpu.memory_space<vmem_shared>> -> memref<10000x16xf32, #tpu.memory_space<vmem_shared>>
        tpu.wait_indirect_dma semaphore(%arg27 : memref<!tpu.dma_semaphore, #tpu.memory_space<semaphore_mem>>) src(%arg14 : memref<80x16xf32, #tpu.memory_space<vmem>>) dst(%dma_wait3A_734 : memref<10000x16xf32, #tpu.memory_space<vmem_shared>>)
      } else {
      }
      %add3A_685 = arith.constant 3 : i32
      %add3A_686 = arith.addi %mul3A_457, %add3A_685 : i32
      %add3A_687 = arith.constant 5 : i32
      %add3A_688 = arith.addi %add3A_686, %add3A_687 : i32
      %dma_start3A_689 = arith.constant 0 : i32
      %dma_start3A_690 = tpu.memref_slice %arg7[%add3A_688, %dma_start3A_689] : memref<250x80xi32, #tpu.memory_space<vmem>> -> memref<1x80xi32, #tpu.memory_space<vmem>>
      %dma_start3A_691 = tpu.memref_squeeze %dma_start3A_690 : memref<1x80xi32, #tpu.memory_space<vmem>> -> memref<80xi32, #tpu.memory_space<vmem>>
      %dma_start3A_692 = arith.constant 0 : i32
      %dma_start3A_693 = arith.constant 0 : i32
      %dma_start3A_694 = tpu.memref_slice %arg2[%arg0, %dma_start3A_692, %dma_start3A_693] : memref<2x10000x64xf32, #tpu.memory_space<hbm>> -> memref<1x10000x64xf32, #tpu.memory_space<hbm>>
      %dma_start3A_695 = tpu.memref_squeeze %dma_start3A_694 : memref<1x10000x64xf32, #tpu.memory_space<hbm>> -> memref<10000x64xf32, #tpu.memory_space<hbm>>
      %dma_start3A_696 = arith.constant 0 : i32
      %dma_start3A_697 = arith.constant 0 : i32
      %dma_start3A_698 = tpu.memref_slice %dma_start3A_695[%dma_start3A_696, %dma_start3A_697] : memref<10000x64xf32, #tpu.memory_space<hbm>> -> memref<10000x64xf32, #tpu.memory_space<hbm>>
      tpu.enqueue_indirect_dma source(%dma_start3A_698 : memref<10000x64xf32, #tpu.memory_space<hbm>>) target(%arg12 : memref<80x64xf32, #tpu.memory_space<vmem>>) offsets(%dma_start3A_691 : memref<80xi32, #tpu.memory_space<vmem>>) semaphore(%arg22 : memref<!tpu.dma_semaphore, #tpu.memory_space<semaphore_mem>>)
      %add3A_699 = arith.constant 4 : i32
      %add3A_700 = arith.addi %mul3A_457, %add3A_699 : i32
      %dma_wait3A_701 = arith.constant 0 : i32
      %dma_wait3A_702 = arith.constant 0 : i32
      %dma_wait3A_703 = tpu.memref_slice %arg8[%dma_wait3A_701, %dma_wait3A_702] : memref<250x80xi32, #tpu.memory_space<vmem>> -> memref<1x80xi32, #tpu.memory_space<vmem>>
      %dma_wait3A_704 = tpu.memref_squeeze %dma_wait3A_703 : memref<1x80xi32, #tpu.memory_space<vmem>> -> memref<80xi32, #tpu.memory_space<vmem>>
      %dma_wait3A_705 = arith.constant 0 : i32
      %dma_wait3A_706 = arith.constant 0 : i32
      %dma_wait3A_707 = tpu.memref_slice %arg17[%dma_wait3A_705, %dma_wait3A_706] : memref<10000x64xf32, #tpu.memory_space<vmem_shared>> -> memref<10000x64xf32, #tpu.memory_space<vmem_shared>>
      tpu.wait_indirect_dma semaphore(%arg28 : memref<!tpu.dma_semaphore, #tpu.memory_space<semaphore_mem>>) src(%arg13 : memref<80x64xf32, #tpu.memory_space<vmem>>) dst(%dma_wait3A_707 : memref<10000x64xf32, #tpu.memory_space<vmem_shared>>)
      %rem3A_708 = arith.constant 2 : i32
      %rem3A_709 = arith.remsi %add3A_700, %rem3A_708 : i32
      %eq3A_710 = arith.cmpi eq, %rem3A_709, %arg0 : i32
      %convert_element_type3A_711 = arith.extui %eq3A_710 : i1 to i32
      %cond3A_712 = arith.constant 0 : i32
      %cond3A_713 = arith.cmpi ne, %convert_element_type3A_711, %cond3A_712 : i32
      scf.if %cond3A_713 {
        %dma_wait3A_728 = arith.constant 0 : i32
        %dma_wait3A_729 = arith.constant 0 : i32
        %dma_wait3A_730 = tpu.memref_slice %arg8[%dma_wait3A_728, %dma_wait3A_729] : memref<250x80xi32, #tpu.memory_space<vmem>> -> memref<1x80xi32, #tpu.memory_space<vmem>>
        %dma_wait3A_731 = tpu.memref_squeeze %dma_wait3A_730 : memref<1x80xi32, #tpu.memory_space<vmem>> -> memref<80xi32, #tpu.memory_space<vmem>>
        %dma_wait3A_732 = arith.constant 0 : i32
        %dma_wait3A_733 = arith.constant 0 : i32
        %dma_wait3A_734 = tpu.memref_slice %arg18[%dma_wait3A_732, %dma_wait3A_733] : memref<10000x16xf32, #tpu.memory_space<vmem_shared>> -> memref<10000x16xf32, #tpu.memory_space<vmem_shared>>
        tpu.wait_indirect_dma semaphore(%arg28 : memref<!tpu.dma_semaphore, #tpu.memory_space<semaphore_mem>>) src(%arg14 : memref<80x16xf32, #tpu.memory_space<vmem>>) dst(%dma_wait3A_734 : memref<10000x16xf32, #tpu.memory_space<vmem_shared>>)
      } else {
      }
      %add3A_714 = arith.constant 4 : i32
      %add3A_715 = arith.addi %mul3A_457, %add3A_714 : i32
      %add3A_716 = arith.constant 5 : i32
      %add3A_717 = arith.addi %add3A_715, %add3A_716 : i32
      %dma_start3A_718 = arith.constant 0 : i32
      %dma_start3A_719 = tpu.memref_slice %arg7[%add3A_717, %dma_start3A_718] : memref<250x80xi32, #tpu.memory_space<vmem>> -> memref<1x80xi32, #tpu.memory_space<vmem>>
      %dma_start3A_720 = tpu.memref_squeeze %dma_start3A_719 : memref<1x80xi32, #tpu.memory_space<vmem>> -> memref<80xi32, #tpu.memory_space<vmem>>
      %dma_start3A_721 = arith.constant 0 : i32
      %dma_start3A_722 = arith.constant 0 : i32
      %dma_start3A_723 = tpu.memref_slice %arg2[%arg0, %dma_start3A_721, %dma_start3A_722] : memref<2x10000x64xf32, #tpu.memory_space<hbm>> -> memref<1x10000x64xf32, #tpu.memory_space<hbm>>
      %dma_start3A_724 = tpu.memref_squeeze %dma_start3A_723 : memref<1x10000x64xf32, #tpu.memory_space<hbm>> -> memref<10000x64xf32, #tpu.memory_space<hbm>>
      %dma_start3A_725 = arith.constant 0 : i32
      %dma_start3A_726 = arith.constant 0 : i32
      %dma_start3A_727 = tpu.memref_slice %dma_start3A_724[%dma_start3A_725, %dma_start3A_726] : memref<10000x64xf32, #tpu.memory_space<hbm>> -> memref<10000x64xf32, #tpu.memory_space<hbm>>
      tpu.enqueue_indirect_dma source(%dma_start3A_727 : memref<10000x64xf32, #tpu.memory_space<hbm>>) target(%arg13 : memref<80x64xf32, #tpu.memory_space<vmem>>) offsets(%dma_start3A_720 : memref<80xi32, #tpu.memory_space<vmem>>) semaphore(%arg23 : memref<!tpu.dma_semaphore, #tpu.memory_space<semaphore_mem>>)
    }
    %scan3A_242 = arith.constant 49 : i32
    %dma_wait3A_243 = arith.constant 0 : i32
    %dma_wait3A_244 = arith.constant 0 : i32
    %dma_wait3A_245 = tpu.memref_slice %arg7[%dma_wait3A_243, %dma_wait3A_244] : memref<250x80xi32, #tpu.memory_space<vmem>> -> memref<1x80xi32, #tpu.memory_space<vmem>>
    %dma_wait3A_246 = tpu.memref_squeeze %dma_wait3A_245 : memref<1x80xi32, #tpu.memory_space<vmem>> -> memref<80xi32, #tpu.memory_space<vmem>>
    %dma_wait3A_247 = arith.constant 0 : i32
    %dma_wait3A_248 = arith.constant 0 : i32
    %dma_wait3A_249 = tpu.memref_slice %arg2[%arg0, %dma_wait3A_247, %dma_wait3A_248] : memref<2x10000x64xf32, #tpu.memory_space<hbm>> -> memref<1x10000x64xf32, #tpu.memory_space<hbm>>
    %dma_wait3A_250 = tpu.memref_squeeze %dma_wait3A_249 : memref<1x10000x64xf32, #tpu.memory_space<hbm>> -> memref<10000x64xf32, #tpu.memory_space<hbm>>
    %dma_wait3A_251 = arith.constant 0 : i32
    %dma_wait3A_252 = arith.constant 0 : i32
    %dma_wait3A_253 = tpu.memref_slice %dma_wait3A_250[%dma_wait3A_251, %dma_wait3A_252] : memref<10000x64xf32, #tpu.memory_space<hbm>> -> memref<10000x64xf32, #tpu.memory_space<hbm>>
    tpu.wait_indirect_dma semaphore(%arg19 : memref<!tpu.dma_semaphore, #tpu.memory_space<semaphore_mem>>) src(%dma_wait3A_253 : memref<10000x64xf32, #tpu.memory_space<hbm>>) dst(%arg9 : memref<80x64xf32, #tpu.memory_space<vmem>>)
    %dma_start3A_254 = arith.constant 245 : i32
    %dma_start3A_255 = arith.constant 0 : i32
    %dma_start3A_256 = tpu.memref_slice %arg8[%dma_start3A_254, %dma_start3A_255] : memref<250x80xi32, #tpu.memory_space<vmem>> -> memref<1x80xi32, #tpu.memory_space<vmem>>
    %dma_start3A_257 = tpu.memref_squeeze %dma_start3A_256 : memref<1x80xi32, #tpu.memory_space<vmem>> -> memref<80xi32, #tpu.memory_space<vmem>>
    %dma_start3A_258 = arith.constant 0 : i32
    %dma_start3A_259 = arith.constant 0 : i32
    %dma_start3A_260 = tpu.memref_slice %arg17[%dma_start3A_258, %dma_start3A_259] : memref<10000x64xf32, #tpu.memory_space<vmem_shared>> -> memref<10000x64xf32, #tpu.memory_space<vmem_shared>>
    tpu.enqueue_indirect_dma source(%arg9 : memref<80x64xf32, #tpu.memory_space<vmem>>) target(%dma_start3A_260 : memref<10000x64xf32, #tpu.memory_space<vmem_shared>>) offsets(%dma_start3A_257 : memref<80xi32, #tpu.memory_space<vmem>>) semaphore(%arg24 : memref<!tpu.dma_semaphore, #tpu.memory_space<semaphore_mem>>) {add = true}
    %rem3A = arith.constant 245 : i32
    %rem3A_261 = arith.constant 2 : i32
    %rem3A_262 = arith.remsi %rem3A, %rem3A_261 : i32
    %eq3A = arith.cmpi eq, %rem3A_262, %arg0 : i32
    %convert_element_type3A = arith.extui %eq3A : i1 to i32
    %cond3A = arith.constant 0 : i32
    %cond3A_263 = arith.cmpi ne, %convert_element_type3A, %cond3A : i32
    scf.if %cond3A_263 {
      %dma_start3A_455 = arith.constant 245 : i32
      %dma_start3A_456 = arith.constant 0 : i32
      %dma_start3A_457 = tpu.memref_slice %arg8[%dma_start3A_455, %dma_start3A_456] : memref<250x80xi32, #tpu.memory_space<vmem>> -> memref<1x80xi32, #tpu.memory_space<vmem>>
      %dma_start3A_458 = tpu.memref_squeeze %dma_start3A_457 : memref<1x80xi32, #tpu.memory_space<vmem>> -> memref<80xi32, #tpu.memory_space<vmem>>
      %dma_start3A_459 = arith.constant 0 : i32
      %dma_start3A_460 = arith.constant 0 : i32
      %dma_start3A_461 = tpu.memref_slice %arg18[%dma_start3A_459, %dma_start3A_460] : memref<10000x16xf32, #tpu.memory_space<vmem_shared>> -> memref<10000x16xf32, #tpu.memory_space<vmem_shared>>
      tpu.enqueue_indirect_dma source(%arg14 : memref<80x16xf32, #tpu.memory_space<vmem>>) target(%dma_start3A_461 : memref<10000x16xf32, #tpu.memory_space<vmem_shared>>) offsets(%dma_start3A_458 : memref<80xi32, #tpu.memory_space<vmem>>) semaphore(%arg24 : memref<!tpu.dma_semaphore, #tpu.memory_space<semaphore_mem>>) {add = true}
    } else {
    }
    %dma_wait3A_264 = arith.constant 0 : i32
    %dma_wait3A_265 = arith.constant 0 : i32
    %dma_wait3A_266 = tpu.memref_slice %arg7[%dma_wait3A_264, %dma_wait3A_265] : memref<250x80xi32, #tpu.memory_space<vmem>> -> memref<1x80xi32, #tpu.memory_space<vmem>>
    %dma_wait3A_267 = tpu.memref_squeeze %dma_wait3A_266 : memref<1x80xi32, #tpu.memory_space<vmem>> -> memref<80xi32, #tpu.memory_space<vmem>>
    %dma_wait3A_268 = arith.constant 0 : i32
    %dma_wait3A_269 = arith.constant 0 : i32
    %dma_wait3A_270 = tpu.memref_slice %arg2[%arg0, %dma_wait3A_268, %dma_wait3A_269] : memref<2x10000x64xf32, #tpu.memory_space<hbm>> -> memref<1x10000x64xf32, #tpu.memory_space<hbm>>
    %dma_wait3A_271 = tpu.memref_squeeze %dma_wait3A_270 : memref<1x10000x64xf32, #tpu.memory_space<hbm>> -> memref<10000x64xf32, #tpu.memory_space<hbm>>
    %dma_wait3A_272 = arith.constant 0 : i32
    %dma_wait3A_273 = arith.constant 0 : i32
    %dma_wait3A_274 = tpu.memref_slice %dma_wait3A_271[%dma_wait3A_272, %dma_wait3A_273] : memref<10000x64xf32, #tpu.memory_space<hbm>> -> memref<10000x64xf32, #tpu.memory_space<hbm>>
    tpu.wait_indirect_dma semaphore(%arg20 : memref<!tpu.dma_semaphore, #tpu.memory_space<semaphore_mem>>) src(%dma_wait3A_274 : memref<10000x64xf32, #tpu.memory_space<hbm>>) dst(%arg10 : memref<80x64xf32, #tpu.memory_space<vmem>>)
    %dma_start3A_275 = arith.constant 246 : i32
    %dma_start3A_276 = arith.constant 0 : i32
    %dma_start3A_277 = tpu.memref_slice %arg8[%dma_start3A_275, %dma_start3A_276] : memref<250x80xi32, #tpu.memory_space<vmem>> -> memref<1x80xi32, #tpu.memory_space<vmem>>
    %dma_start3A_278 = tpu.memref_squeeze %dma_start3A_277 : memref<1x80xi32, #tpu.memory_space<vmem>> -> memref<80xi32, #tpu.memory_space<vmem>>
    %dma_start3A_279 = arith.constant 0 : i32
    %dma_start3A_280 = arith.constant 0 : i32
    %dma_start3A_281 = tpu.memref_slice %arg17[%dma_start3A_279, %dma_start3A_280] : memref<10000x64xf32, #tpu.memory_space<vmem_shared>> -> memref<10000x64xf32, #tpu.memory_space<vmem_shared>>
    tpu.enqueue_indirect_dma source(%arg10 : memref<80x64xf32, #tpu.memory_space<vmem>>) target(%dma_start3A_281 : memref<10000x64xf32, #tpu.memory_space<vmem_shared>>) offsets(%dma_start3A_278 : memref<80xi32, #tpu.memory_space<vmem>>) semaphore(%arg25 : memref<!tpu.dma_semaphore, #tpu.memory_space<semaphore_mem>>) {add = true}
    %rem3A_282 = arith.constant 246 : i32
    %rem3A_283 = arith.constant 2 : i32
    %rem3A_284 = arith.remsi %rem3A_282, %rem3A_283 : i32
    %eq3A_285 = arith.cmpi eq, %rem3A_284, %arg0 : i32
    %convert_element_type3A_286 = arith.extui %eq3A_285 : i1 to i32
    %cond3A_287 = arith.constant 0 : i32
    %cond3A_288 = arith.cmpi ne, %convert_element_type3A_286, %cond3A_287 : i32
    scf.if %cond3A_288 {
      %dma_start3A_455 = arith.constant 246 : i32
      %dma_start3A_456 = arith.constant 0 : i32
      %dma_start3A_457 = tpu.memref_slice %arg8[%dma_start3A_455, %dma_start3A_456] : memref<250x80xi32, #tpu.memory_space<vmem>> -> memref<1x80xi32, #tpu.memory_space<vmem>>
      %dma_start3A_458 = tpu.memref_squeeze %dma_start3A_457 : memref<1x80xi32, #tpu.memory_space<vmem>> -> memref<80xi32, #tpu.memory_space<vmem>>
      %dma_start3A_459 = arith.constant 0 : i32
      %dma_start3A_460 = arith.constant 0 : i32
      %dma_start3A_461 = tpu.memref_slice %arg18[%dma_start3A_459, %dma_start3A_460] : memref<10000x16xf32, #tpu.memory_space<vmem_shared>> -> memref<10000x16xf32, #tpu.memory_space<vmem_shared>>
      tpu.enqueue_indirect_dma source(%arg14 : memref<80x16xf32, #tpu.memory_space<vmem>>) target(%dma_start3A_461 : memref<10000x16xf32, #tpu.memory_space<vmem_shared>>) offsets(%dma_start3A_458 : memref<80xi32, #tpu.memory_space<vmem>>) semaphore(%arg25 : memref<!tpu.dma_semaphore, #tpu.memory_space<semaphore_mem>>) {add = true}
    } else {
    }
    %dma_wait3A_289 = arith.constant 0 : i32
    %dma_wait3A_290 = arith.constant 0 : i32
    %dma_wait3A_291 = tpu.memref_slice %arg7[%dma_wait3A_289, %dma_wait3A_290] : memref<250x80xi32, #tpu.memory_space<vmem>> -> memref<1x80xi32, #tpu.memory_space<vmem>>
    %dma_wait3A_292 = tpu.memref_squeeze %dma_wait3A_291 : memref<1x80xi32, #tpu.memory_space<vmem>> -> memref<80xi32, #tpu.memory_space<vmem>>
    %dma_wait3A_293 = arith.constant 0 : i32
    %dma_wait3A_294 = arith.constant 0 : i32
    %dma_wait3A_295 = tpu.memref_slice %arg2[%arg0, %dma_wait3A_293, %dma_wait3A_294] : memref<2x10000x64xf32, #tpu.memory_space<hbm>> -> memref<1x10000x64xf32, #tpu.memory_space<hbm>>
    %dma_wait3A_296 = tpu.memref_squeeze %dma_wait3A_295 : memref<1x10000x64xf32, #tpu.memory_space<hbm>> -> memref<10000x64xf32, #tpu.memory_space<hbm>>
    %dma_wait3A_297 = arith.constant 0 : i32
    %dma_wait3A_298 = arith.constant 0 : i32
    %dma_wait3A_299 = tpu.memref_slice %dma_wait3A_296[%dma_wait3A_297, %dma_wait3A_298] : memref<10000x64xf32, #tpu.memory_space<hbm>> -> memref<10000x64xf32, #tpu.memory_space<hbm>>
    tpu.wait_indirect_dma semaphore(%arg21 : memref<!tpu.dma_semaphore, #tpu.memory_space<semaphore_mem>>) src(%dma_wait3A_299 : memref<10000x64xf32, #tpu.memory_space<hbm>>) dst(%arg11 : memref<80x64xf32, #tpu.memory_space<vmem>>)
    %dma_start3A_300 = arith.constant 247 : i32
    %dma_start3A_301 = arith.constant 0 : i32
    %dma_start3A_302 = tpu.memref_slice %arg8[%dma_start3A_300, %dma_start3A_301] : memref<250x80xi32, #tpu.memory_space<vmem>> -> memref<1x80xi32, #tpu.memory_space<vmem>>
    %dma_start3A_303 = tpu.memref_squeeze %dma_start3A_302 : memref<1x80xi32, #tpu.memory_space<vmem>> -> memref<80xi32, #tpu.memory_space<vmem>>
    %dma_start3A_304 = arith.constant 0 : i32
    %dma_start3A_305 = arith.constant 0 : i32
    %dma_start3A_306 = tpu.memref_slice %arg17[%dma_start3A_304, %dma_start3A_305] : memref<10000x64xf32, #tpu.memory_space<vmem_shared>> -> memref<10000x64xf32, #tpu.memory_space<vmem_shared>>
    tpu.enqueue_indirect_dma source(%arg11 : memref<80x64xf32, #tpu.memory_space<vmem>>) target(%dma_start3A_306 : memref<10000x64xf32, #tpu.memory_space<vmem_shared>>) offsets(%dma_start3A_303 : memref<80xi32, #tpu.memory_space<vmem>>) semaphore(%arg26 : memref<!tpu.dma_semaphore, #tpu.memory_space<semaphore_mem>>) {add = true}
    %rem3A_307 = arith.constant 247 : i32
    %rem3A_308 = arith.constant 2 : i32
    %rem3A_309 = arith.remsi %rem3A_307, %rem3A_308 : i32
    %eq3A_310 = arith.cmpi eq, %rem3A_309, %arg0 : i32
    %convert_element_type3A_311 = arith.extui %eq3A_310 : i1 to i32
    %cond3A_312 = arith.constant 0 : i32
    %cond3A_313 = arith.cmpi ne, %convert_element_type3A_311, %cond3A_312 : i32
    scf.if %cond3A_313 {
      %dma_start3A_455 = arith.constant 247 : i32
      %dma_start3A_456 = arith.constant 0 : i32
      %dma_start3A_457 = tpu.memref_slice %arg8[%dma_start3A_455, %dma_start3A_456] : memref<250x80xi32, #tpu.memory_space<vmem>> -> memref<1x80xi32, #tpu.memory_space<vmem>>
      %dma_start3A_458 = tpu.memref_squeeze %dma_start3A_457 : memref<1x80xi32, #tpu.memory_space<vmem>> -> memref<80xi32, #tpu.memory_space<vmem>>
      %dma_start3A_459 = arith.constant 0 : i32
      %dma_start3A_460 = arith.constant 0 : i32
      %dma_start3A_461 = tpu.memref_slice %arg18[%dma_start3A_459, %dma_start3A_460] : memref<10000x16xf32, #tpu.memory_space<vmem_shared>> -> memref<10000x16xf32, #tpu.memory_space<vmem_shared>>
      tpu.enqueue_indirect_dma source(%arg14 : memref<80x16xf32, #tpu.memory_space<vmem>>) target(%dma_start3A_461 : memref<10000x16xf32, #tpu.memory_space<vmem_shared>>) offsets(%dma_start3A_458 : memref<80xi32, #tpu.memory_space<vmem>>) semaphore(%arg26 : memref<!tpu.dma_semaphore, #tpu.memory_space<semaphore_mem>>) {add = true}
    } else {
    }
    %dma_wait3A_314 = arith.constant 0 : i32
    %dma_wait3A_315 = arith.constant 0 : i32
    %dma_wait3A_316 = tpu.memref_slice %arg7[%dma_wait3A_314, %dma_wait3A_315] : memref<250x80xi32, #tpu.memory_space<vmem>> -> memref<1x80xi32, #tpu.memory_space<vmem>>
    %dma_wait3A_317 = tpu.memref_squeeze %dma_wait3A_316 : memref<1x80xi32, #tpu.memory_space<vmem>> -> memref<80xi32, #tpu.memory_space<vmem>>
    %dma_wait3A_318 = arith.constant 0 : i32
    %dma_wait3A_319 = arith.constant 0 : i32
    %dma_wait3A_320 = tpu.memref_slice %arg2[%arg0, %dma_wait3A_318, %dma_wait3A_319] : memref<2x10000x64xf32, #tpu.memory_space<hbm>> -> memref<1x10000x64xf32, #tpu.memory_space<hbm>>
    %dma_wait3A_321 = tpu.memref_squeeze %dma_wait3A_320 : memref<1x10000x64xf32, #tpu.memory_space<hbm>> -> memref<10000x64xf32, #tpu.memory_space<hbm>>
    %dma_wait3A_322 = arith.constant 0 : i32
    %dma_wait3A_323 = arith.constant 0 : i32
    %dma_wait3A_324 = tpu.memref_slice %dma_wait3A_321[%dma_wait3A_322, %dma_wait3A_323] : memref<10000x64xf32, #tpu.memory_space<hbm>> -> memref<10000x64xf32, #tpu.memory_space<hbm>>
    tpu.wait_indirect_dma semaphore(%arg22 : memref<!tpu.dma_semaphore, #tpu.memory_space<semaphore_mem>>) src(%dma_wait3A_324 : memref<10000x64xf32, #tpu.memory_space<hbm>>) dst(%arg12 : memref<80x64xf32, #tpu.memory_space<vmem>>)
    %dma_start3A_325 = arith.constant 248 : i32
    %dma_start3A_326 = arith.constant 0 : i32
    %dma_start3A_327 = tpu.memref_slice %arg8[%dma_start3A_325, %dma_start3A_326] : memref<250x80xi32, #tpu.memory_space<vmem>> -> memref<1x80xi32, #tpu.memory_space<vmem>>
    %dma_start3A_328 = tpu.memref_squeeze %dma_start3A_327 : memref<1x80xi32, #tpu.memory_space<vmem>> -> memref<80xi32, #tpu.memory_space<vmem>>
    %dma_start3A_329 = arith.constant 0 : i32
    %dma_start3A_330 = arith.constant 0 : i32
    %dma_start3A_331 = tpu.memref_slice %arg17[%dma_start3A_329, %dma_start3A_330] : memref<10000x64xf32, #tpu.memory_space<vmem_shared>> -> memref<10000x64xf32, #tpu.memory_space<vmem_shared>>
    tpu.enqueue_indirect_dma source(%arg12 : memref<80x64xf32, #tpu.memory_space<vmem>>) target(%dma_start3A_331 : memref<10000x64xf32, #tpu.memory_space<vmem_shared>>) offsets(%dma_start3A_328 : memref<80xi32, #tpu.memory_space<vmem>>) semaphore(%arg27 : memref<!tpu.dma_semaphore, #tpu.memory_space<semaphore_mem>>) {add = true}
    %rem3A_332 = arith.constant 248 : i32
    %rem3A_333 = arith.constant 2 : i32
    %rem3A_334 = arith.remsi %rem3A_332, %rem3A_333 : i32
    %eq3A_335 = arith.cmpi eq, %rem3A_334, %arg0 : i32
    %convert_element_type3A_336 = arith.extui %eq3A_335 : i1 to i32
    %cond3A_337 = arith.constant 0 : i32
    %cond3A_338 = arith.cmpi ne, %convert_element_type3A_336, %cond3A_337 : i32
    scf.if %cond3A_338 {
      %dma_start3A_455 = arith.constant 248 : i32
      %dma_start3A_456 = arith.constant 0 : i32
      %dma_start3A_457 = tpu.memref_slice %arg8[%dma_start3A_455, %dma_start3A_456] : memref<250x80xi32, #tpu.memory_space<vmem>> -> memref<1x80xi32, #tpu.memory_space<vmem>>
      %dma_start3A_458 = tpu.memref_squeeze %dma_start3A_457 : memref<1x80xi32, #tpu.memory_space<vmem>> -> memref<80xi32, #tpu.memory_space<vmem>>
      %dma_start3A_459 = arith.constant 0 : i32
      %dma_start3A_460 = arith.constant 0 : i32
      %dma_start3A_461 = tpu.memref_slice %arg18[%dma_start3A_459, %dma_start3A_460] : memref<10000x16xf32, #tpu.memory_space<vmem_shared>> -> memref<10000x16xf32, #tpu.memory_space<vmem_shared>>
      tpu.enqueue_indirect_dma source(%arg14 : memref<80x16xf32, #tpu.memory_space<vmem>>) target(%dma_start3A_461 : memref<10000x16xf32, #tpu.memory_space<vmem_shared>>) offsets(%dma_start3A_458 : memref<80xi32, #tpu.memory_space<vmem>>) semaphore(%arg27 : memref<!tpu.dma_semaphore, #tpu.memory_space<semaphore_mem>>) {add = true}
    } else {
    }
    %dma_wait3A_339 = arith.constant 0 : i32
    %dma_wait3A_340 = arith.constant 0 : i32
    %dma_wait3A_341 = tpu.memref_slice %arg7[%dma_wait3A_339, %dma_wait3A_340] : memref<250x80xi32, #tpu.memory_space<vmem>> -> memref<1x80xi32, #tpu.memory_space<vmem>>
    %dma_wait3A_342 = tpu.memref_squeeze %dma_wait3A_341 : memref<1x80xi32, #tpu.memory_space<vmem>> -> memref<80xi32, #tpu.memory_space<vmem>>
    %dma_wait3A_343 = arith.constant 0 : i32
    %dma_wait3A_344 = arith.constant 0 : i32
    %dma_wait3A_345 = tpu.memref_slice %arg2[%arg0, %dma_wait3A_343, %dma_wait3A_344] : memref<2x10000x64xf32, #tpu.memory_space<hbm>> -> memref<1x10000x64xf32, #tpu.memory_space<hbm>>
    %dma_wait3A_346 = tpu.memref_squeeze %dma_wait3A_345 : memref<1x10000x64xf32, #tpu.memory_space<hbm>> -> memref<10000x64xf32, #tpu.memory_space<hbm>>
    %dma_wait3A_347 = arith.constant 0 : i32
    %dma_wait3A_348 = arith.constant 0 : i32
    %dma_wait3A_349 = tpu.memref_slice %dma_wait3A_346[%dma_wait3A_347, %dma_wait3A_348] : memref<10000x64xf32, #tpu.memory_space<hbm>> -> memref<10000x64xf32, #tpu.memory_space<hbm>>
    tpu.wait_indirect_dma semaphore(%arg23 : memref<!tpu.dma_semaphore, #tpu.memory_space<semaphore_mem>>) src(%dma_wait3A_349 : memref<10000x64xf32, #tpu.memory_space<hbm>>) dst(%arg13 : memref<80x64xf32, #tpu.memory_space<vmem>>)
    %dma_start3A_350 = arith.constant 249 : i32
    %dma_start3A_351 = arith.constant 0 : i32
    %dma_start3A_352 = tpu.memref_slice %arg8[%dma_start3A_350, %dma_start3A_351] : memref<250x80xi32, #tpu.memory_space<vmem>> -> memref<1x80xi32, #tpu.memory_space<vmem>>
    %dma_start3A_353 = tpu.memref_squeeze %dma_start3A_352 : memref<1x80xi32, #tpu.memory_space<vmem>> -> memref<80xi32, #tpu.memory_space<vmem>>
    %dma_start3A_354 = arith.constant 0 : i32
    %dma_start3A_355 = arith.constant 0 : i32
    %dma_start3A_356 = tpu.memref_slice %arg17[%dma_start3A_354, %dma_start3A_355] : memref<10000x64xf32, #tpu.memory_space<vmem_shared>> -> memref<10000x64xf32, #tpu.memory_space<vmem_shared>>
    tpu.enqueue_indirect_dma source(%arg13 : memref<80x64xf32, #tpu.memory_space<vmem>>) target(%dma_start3A_356 : memref<10000x64xf32, #tpu.memory_space<vmem_shared>>) offsets(%dma_start3A_353 : memref<80xi32, #tpu.memory_space<vmem>>) semaphore(%arg28 : memref<!tpu.dma_semaphore, #tpu.memory_space<semaphore_mem>>) {add = true}
    %rem3A_357 = arith.constant 249 : i32
    %rem3A_358 = arith.constant 2 : i32
    %rem3A_359 = arith.remsi %rem3A_357, %rem3A_358 : i32
    %eq3A_360 = arith.cmpi eq, %rem3A_359, %arg0 : i32
    %convert_element_type3A_361 = arith.extui %eq3A_360 : i1 to i32
    %cond3A_362 = arith.constant 0 : i32
    %cond3A_363 = arith.cmpi ne, %convert_element_type3A_361, %cond3A_362 : i32
    scf.if %cond3A_363 {
      %dma_start3A_455 = arith.constant 249 : i32
      %dma_start3A_456 = arith.constant 0 : i32
      %dma_start3A_457 = tpu.memref_slice %arg8[%dma_start3A_455, %dma_start3A_456] : memref<250x80xi32, #tpu.memory_space<vmem>> -> memref<1x80xi32, #tpu.memory_space<vmem>>
      %dma_start3A_458 = tpu.memref_squeeze %dma_start3A_457 : memref<1x80xi32, #tpu.memory_space<vmem>> -> memref<80xi32, #tpu.memory_space<vmem>>
      %dma_start3A_459 = arith.constant 0 : i32
      %dma_start3A_460 = arith.constant 0 : i32
      %dma_start3A_461 = tpu.memref_slice %arg18[%dma_start3A_459, %dma_start3A_460] : memref<10000x16xf32, #tpu.memory_space<vmem_shared>> -> memref<10000x16xf32, #tpu.memory_space<vmem_shared>>
      tpu.enqueue_indirect_dma source(%arg14 : memref<80x16xf32, #tpu.memory_space<vmem>>) target(%dma_start3A_461 : memref<10000x16xf32, #tpu.memory_space<vmem_shared>>) offsets(%dma_start3A_458 : memref<80xi32, #tpu.memory_space<vmem>>) semaphore(%arg28 : memref<!tpu.dma_semaphore, #tpu.memory_space<semaphore_mem>>) {add = true}
    } else {
    }
    %dma_wait3A_364 = arith.constant 0 : i32
    %dma_wait3A_365 = arith.constant 0 : i32
    %dma_wait3A_366 = tpu.memref_slice %arg8[%dma_wait3A_364, %dma_wait3A_365] : memref<250x80xi32, #tpu.memory_space<vmem>> -> memref<1x80xi32, #tpu.memory_space<vmem>>
    %dma_wait3A_367 = tpu.memref_squeeze %dma_wait3A_366 : memref<1x80xi32, #tpu.memory_space<vmem>> -> memref<80xi32, #tpu.memory_space<vmem>>
    %dma_wait3A_368 = arith.constant 0 : i32
    %dma_wait3A_369 = arith.constant 0 : i32
    %dma_wait3A_370 = tpu.memref_slice %arg17[%dma_wait3A_368, %dma_wait3A_369] : memref<10000x64xf32, #tpu.memory_space<vmem_shared>> -> memref<10000x64xf32, #tpu.memory_space<vmem_shared>>
    tpu.wait_indirect_dma semaphore(%arg24 : memref<!tpu.dma_semaphore, #tpu.memory_space<semaphore_mem>>) src(%arg9 : memref<80x64xf32, #tpu.memory_space<vmem>>) dst(%dma_wait3A_370 : memref<10000x64xf32, #tpu.memory_space<vmem_shared>>)
    %rem3A_371 = arith.constant 245 : i32
    %rem3A_372 = arith.constant 2 : i32
    %rem3A_373 = arith.remsi %rem3A_371, %rem3A_372 : i32
    %eq3A_374 = arith.cmpi eq, %rem3A_373, %arg0 : i32
    %convert_element_type3A_375 = arith.extui %eq3A_374 : i1 to i32
    %cond3A_376 = arith.constant 0 : i32
    %cond3A_377 = arith.cmpi ne, %convert_element_type3A_375, %cond3A_376 : i32
    scf.if %cond3A_377 {
      %dma_wait3A_455 = arith.constant 0 : i32
      %dma_wait3A_456 = arith.constant 0 : i32
      %dma_wait3A_457 = tpu.memref_slice %arg8[%dma_wait3A_455, %dma_wait3A_456] : memref<250x80xi32, #tpu.memory_space<vmem>> -> memref<1x80xi32, #tpu.memory_space<vmem>>
      %dma_wait3A_458 = tpu.memref_squeeze %dma_wait3A_457 : memref<1x80xi32, #tpu.memory_space<vmem>> -> memref<80xi32, #tpu.memory_space<vmem>>
      %dma_wait3A_459 = arith.constant 0 : i32
      %dma_wait3A_460 = arith.constant 0 : i32
      %dma_wait3A_461 = tpu.memref_slice %arg18[%dma_wait3A_459, %dma_wait3A_460] : memref<10000x16xf32, #tpu.memory_space<vmem_shared>> -> memref<10000x16xf32, #tpu.memory_space<vmem_shared>>
      tpu.wait_indirect_dma semaphore(%arg24 : memref<!tpu.dma_semaphore, #tpu.memory_space<semaphore_mem>>) src(%arg14 : memref<80x16xf32, #tpu.memory_space<vmem>>) dst(%dma_wait3A_461 : memref<10000x16xf32, #tpu.memory_space<vmem_shared>>)
    } else {
    }
    %dma_wait3A_378 = arith.constant 0 : i32
    %dma_wait3A_379 = arith.constant 0 : i32
    %dma_wait3A_380 = tpu.memref_slice %arg8[%dma_wait3A_378, %dma_wait3A_379] : memref<250x80xi32, #tpu.memory_space<vmem>> -> memref<1x80xi32, #tpu.memory_space<vmem>>
    %dma_wait3A_381 = tpu.memref_squeeze %dma_wait3A_380 : memref<1x80xi32, #tpu.memory_space<vmem>> -> memref<80xi32, #tpu.memory_space<vmem>>
    %dma_wait3A_382 = arith.constant 0 : i32
    %dma_wait3A_383 = arith.constant 0 : i32
    %dma_wait3A_384 = tpu.memref_slice %arg17[%dma_wait3A_382, %dma_wait3A_383] : memref<10000x64xf32, #tpu.memory_space<vmem_shared>> -> memref<10000x64xf32, #tpu.memory_space<vmem_shared>>
    tpu.wait_indirect_dma semaphore(%arg25 : memref<!tpu.dma_semaphore, #tpu.memory_space<semaphore_mem>>) src(%arg10 : memref<80x64xf32, #tpu.memory_space<vmem>>) dst(%dma_wait3A_384 : memref<10000x64xf32, #tpu.memory_space<vmem_shared>>)
    %rem3A_385 = arith.constant 246 : i32
    %rem3A_386 = arith.constant 2 : i32
    %rem3A_387 = arith.remsi %rem3A_385, %rem3A_386 : i32
    %eq3A_388 = arith.cmpi eq, %rem3A_387, %arg0 : i32
    %convert_element_type3A_389 = arith.extui %eq3A_388 : i1 to i32
    %cond3A_390 = arith.constant 0 : i32
    %cond3A_391 = arith.cmpi ne, %convert_element_type3A_389, %cond3A_390 : i32
    scf.if %cond3A_391 {
      %dma_wait3A_455 = arith.constant 0 : i32
      %dma_wait3A_456 = arith.constant 0 : i32
      %dma_wait3A_457 = tpu.memref_slice %arg8[%dma_wait3A_455, %dma_wait3A_456] : memref<250x80xi32, #tpu.memory_space<vmem>> -> memref<1x80xi32, #tpu.memory_space<vmem>>
      %dma_wait3A_458 = tpu.memref_squeeze %dma_wait3A_457 : memref<1x80xi32, #tpu.memory_space<vmem>> -> memref<80xi32, #tpu.memory_space<vmem>>
      %dma_wait3A_459 = arith.constant 0 : i32
      %dma_wait3A_460 = arith.constant 0 : i32
      %dma_wait3A_461 = tpu.memref_slice %arg18[%dma_wait3A_459, %dma_wait3A_460] : memref<10000x16xf32, #tpu.memory_space<vmem_shared>> -> memref<10000x16xf32, #tpu.memory_space<vmem_shared>>
      tpu.wait_indirect_dma semaphore(%arg25 : memref<!tpu.dma_semaphore, #tpu.memory_space<semaphore_mem>>) src(%arg14 : memref<80x16xf32, #tpu.memory_space<vmem>>) dst(%dma_wait3A_461 : memref<10000x16xf32, #tpu.memory_space<vmem_shared>>)
    } else {
    }
    %dma_wait3A_392 = arith.constant 0 : i32
    %dma_wait3A_393 = arith.constant 0 : i32
    %dma_wait3A_394 = tpu.memref_slice %arg8[%dma_wait3A_392, %dma_wait3A_393] : memref<250x80xi32, #tpu.memory_space<vmem>> -> memref<1x80xi32, #tpu.memory_space<vmem>>
    %dma_wait3A_395 = tpu.memref_squeeze %dma_wait3A_394 : memref<1x80xi32, #tpu.memory_space<vmem>> -> memref<80xi32, #tpu.memory_space<vmem>>
    %dma_wait3A_396 = arith.constant 0 : i32
    %dma_wait3A_397 = arith.constant 0 : i32
    %dma_wait3A_398 = tpu.memref_slice %arg17[%dma_wait3A_396, %dma_wait3A_397] : memref<10000x64xf32, #tpu.memory_space<vmem_shared>> -> memref<10000x64xf32, #tpu.memory_space<vmem_shared>>
    tpu.wait_indirect_dma semaphore(%arg26 : memref<!tpu.dma_semaphore, #tpu.memory_space<semaphore_mem>>) src(%arg11 : memref<80x64xf32, #tpu.memory_space<vmem>>) dst(%dma_wait3A_398 : memref<10000x64xf32, #tpu.memory_space<vmem_shared>>)
    %rem3A_399 = arith.constant 247 : i32
    %rem3A_400 = arith.constant 2 : i32
    %rem3A_401 = arith.remsi %rem3A_399, %rem3A_400 : i32
    %eq3A_402 = arith.cmpi eq, %rem3A_401, %arg0 : i32
    %convert_element_type3A_403 = arith.extui %eq3A_402 : i1 to i32
    %cond3A_404 = arith.constant 0 : i32
    %cond3A_405 = arith.cmpi ne, %convert_element_type3A_403, %cond3A_404 : i32
    scf.if %cond3A_405 {
      %dma_wait3A_455 = arith.constant 0 : i32
      %dma_wait3A_456 = arith.constant 0 : i32
      %dma_wait3A_457 = tpu.memref_slice %arg8[%dma_wait3A_455, %dma_wait3A_456] : memref<250x80xi32, #tpu.memory_space<vmem>> -> memref<1x80xi32, #tpu.memory_space<vmem>>
      %dma_wait3A_458 = tpu.memref_squeeze %dma_wait3A_457 : memref<1x80xi32, #tpu.memory_space<vmem>> -> memref<80xi32, #tpu.memory_space<vmem>>
      %dma_wait3A_459 = arith.constant 0 : i32
      %dma_wait3A_460 = arith.constant 0 : i32
      %dma_wait3A_461 = tpu.memref_slice %arg18[%dma_wait3A_459, %dma_wait3A_460] : memref<10000x16xf32, #tpu.memory_space<vmem_shared>> -> memref<10000x16xf32, #tpu.memory_space<vmem_shared>>
      tpu.wait_indirect_dma semaphore(%arg26 : memref<!tpu.dma_semaphore, #tpu.memory_space<semaphore_mem>>) src(%arg14 : memref<80x16xf32, #tpu.memory_space<vmem>>) dst(%dma_wait3A_461 : memref<10000x16xf32, #tpu.memory_space<vmem_shared>>)
    } else {
    }
    %dma_wait3A_406 = arith.constant 0 : i32
    %dma_wait3A_407 = arith.constant 0 : i32
    %dma_wait3A_408 = tpu.memref_slice %arg8[%dma_wait3A_406, %dma_wait3A_407] : memref<250x80xi32, #tpu.memory_space<vmem>> -> memref<1x80xi32, #tpu.memory_space<vmem>>
    %dma_wait3A_409 = tpu.memref_squeeze %dma_wait3A_408 : memref<1x80xi32, #tpu.memory_space<vmem>> -> memref<80xi32, #tpu.memory_space<vmem>>
    %dma_wait3A_410 = arith.constant 0 : i32
    %dma_wait3A_411 = arith.constant 0 : i32
    %dma_wait3A_412 = tpu.memref_slice %arg17[%dma_wait3A_410, %dma_wait3A_411] : memref<10000x64xf32, #tpu.memory_space<vmem_shared>> -> memref<10000x64xf32, #tpu.memory_space<vmem_shared>>
    tpu.wait_indirect_dma semaphore(%arg27 : memref<!tpu.dma_semaphore, #tpu.memory_space<semaphore_mem>>) src(%arg12 : memref<80x64xf32, #tpu.memory_space<vmem>>) dst(%dma_wait3A_412 : memref<10000x64xf32, #tpu.memory_space<vmem_shared>>)
    %rem3A_413 = arith.constant 248 : i32
    %rem3A_414 = arith.constant 2 : i32
    %rem3A_415 = arith.remsi %rem3A_413, %rem3A_414 : i32
    %eq3A_416 = arith.cmpi eq, %rem3A_415, %arg0 : i32
    %convert_element_type3A_417 = arith.extui %eq3A_416 : i1 to i32
    %cond3A_418 = arith.constant 0 : i32
    %cond3A_419 = arith.cmpi ne, %convert_element_type3A_417, %cond3A_418 : i32
    scf.if %cond3A_419 {
      %dma_wait3A_455 = arith.constant 0 : i32
      %dma_wait3A_456 = arith.constant 0 : i32
      %dma_wait3A_457 = tpu.memref_slice %arg8[%dma_wait3A_455, %dma_wait3A_456] : memref<250x80xi32, #tpu.memory_space<vmem>> -> memref<1x80xi32, #tpu.memory_space<vmem>>
      %dma_wait3A_458 = tpu.memref_squeeze %dma_wait3A_457 : memref<1x80xi32, #tpu.memory_space<vmem>> -> memref<80xi32, #tpu.memory_space<vmem>>
      %dma_wait3A_459 = arith.constant 0 : i32
      %dma_wait3A_460 = arith.constant 0 : i32
      %dma_wait3A_461 = tpu.memref_slice %arg18[%dma_wait3A_459, %dma_wait3A_460] : memref<10000x16xf32, #tpu.memory_space<vmem_shared>> -> memref<10000x16xf32, #tpu.memory_space<vmem_shared>>
      tpu.wait_indirect_dma semaphore(%arg27 : memref<!tpu.dma_semaphore, #tpu.memory_space<semaphore_mem>>) src(%arg14 : memref<80x16xf32, #tpu.memory_space<vmem>>) dst(%dma_wait3A_461 : memref<10000x16xf32, #tpu.memory_space<vmem_shared>>)
    } else {
    }
    %dma_wait3A_420 = arith.constant 0 : i32
    %dma_wait3A_421 = arith.constant 0 : i32
    %dma_wait3A_422 = tpu.memref_slice %arg8[%dma_wait3A_420, %dma_wait3A_421] : memref<250x80xi32, #tpu.memory_space<vmem>> -> memref<1x80xi32, #tpu.memory_space<vmem>>
    %dma_wait3A_423 = tpu.memref_squeeze %dma_wait3A_422 : memref<1x80xi32, #tpu.memory_space<vmem>> -> memref<80xi32, #tpu.memory_space<vmem>>
    %dma_wait3A_424 = arith.constant 0 : i32
    %dma_wait3A_425 = arith.constant 0 : i32
    %dma_wait3A_426 = tpu.memref_slice %arg17[%dma_wait3A_424, %dma_wait3A_425] : memref<10000x64xf32, #tpu.memory_space<vmem_shared>> -> memref<10000x64xf32, #tpu.memory_space<vmem_shared>>
    tpu.wait_indirect_dma semaphore(%arg28 : memref<!tpu.dma_semaphore, #tpu.memory_space<semaphore_mem>>) src(%arg13 : memref<80x64xf32, #tpu.memory_space<vmem>>) dst(%dma_wait3A_426 : memref<10000x64xf32, #tpu.memory_space<vmem_shared>>)
    %rem3A_427 = arith.constant 249 : i32
    %rem3A_428 = arith.constant 2 : i32
    %rem3A_429 = arith.remsi %rem3A_427, %rem3A_428 : i32
    %eq3A_430 = arith.cmpi eq, %rem3A_429, %arg0 : i32
    %convert_element_type3A_431 = arith.extui %eq3A_430 : i1 to i32
    %cond3A_432 = arith.constant 0 : i32
    %cond3A_433 = arith.cmpi ne, %convert_element_type3A_431, %cond3A_432 : i32
    scf.if %cond3A_433 {
      %dma_wait3A_455 = arith.constant 0 : i32
      %dma_wait3A_456 = arith.constant 0 : i32
      %dma_wait3A_457 = tpu.memref_slice %arg8[%dma_wait3A_455, %dma_wait3A_456] : memref<250x80xi32, #tpu.memory_space<vmem>> -> memref<1x80xi32, #tpu.memory_space<vmem>>
      %dma_wait3A_458 = tpu.memref_squeeze %dma_wait3A_457 : memref<1x80xi32, #tpu.memory_space<vmem>> -> memref<80xi32, #tpu.memory_space<vmem>>
      %dma_wait3A_459 = arith.constant 0 : i32
      %dma_wait3A_460 = arith.constant 0 : i32
      %dma_wait3A_461 = tpu.memref_slice %arg18[%dma_wait3A_459, %dma_wait3A_460] : memref<10000x16xf32, #tpu.memory_space<vmem_shared>> -> memref<10000x16xf32, #tpu.memory_space<vmem_shared>>
      tpu.wait_indirect_dma semaphore(%arg28 : memref<!tpu.dma_semaphore, #tpu.memory_space<semaphore_mem>>) src(%arg14 : memref<80x16xf32, #tpu.memory_space<vmem>>) dst(%dma_wait3A_461 : memref<10000x16xf32, #tpu.memory_space<vmem_shared>>)
    } else {
    }
    %barrier3A_434 = arith.constant 0 : index
    tpu.barrier barrier_id(%barrier3A_434)
    %dma_start3A_435 = arith.constant 0 : i32
    %dma_start3A_436 = tpu.memref_slice %arg5[%arg0, %mul3A_8, %dma_start3A_435] : memref<2x10000x64xf32, #tpu.memory_space<hbm>> -> memref<1x640x64xf32, #tpu.memory_space<hbm>>
    %dma_start3A_437 = tpu.memref_squeeze %dma_start3A_436 : memref<1x640x64xf32, #tpu.memory_space<hbm>> -> memref<640x64xf32, #tpu.memory_space<hbm>>
    %dma_start3A_438 = arith.constant 0 : i32
    %dma_start3A_439 = tpu.memref_slice %arg17[%mul3A_8, %dma_start3A_438] : memref<10000x64xf32, #tpu.memory_space<vmem_shared>> -> memref<640x64xf32, #tpu.memory_space<vmem_shared>>
    tpu.enqueue_dma source(%dma_start3A_439 : memref<640x64xf32, #tpu.memory_space<vmem_shared>>) target(%dma_start3A_437 : memref<640x64xf32, #tpu.memory_space<hbm>>) target_semaphore(%arg19 : memref<!tpu.dma_semaphore, #tpu.memory_space<semaphore_mem>>)
    %dma_start3A_440 = arith.constant 0 : i32
    %dma_start3A_441 = tpu.memref_slice %arg6[%arg0, %mul3A_8, %dma_start3A_440] : memref<2x10000x16xf32, #tpu.memory_space<hbm>> -> memref<1x640x16xf32, #tpu.memory_space<hbm>>
    %dma_start3A_442 = tpu.memref_squeeze %dma_start3A_441 : memref<1x640x16xf32, #tpu.memory_space<hbm>> -> memref<640x16xf32, #tpu.memory_space<hbm>>
    %dma_start3A_443 = arith.constant 0 : i32
    %dma_start3A_444 = tpu.memref_slice %arg18[%mul3A_8, %dma_start3A_443] : memref<10000x16xf32, #tpu.memory_space<vmem_shared>> -> memref<640x16xf32, #tpu.memory_space<vmem_shared>>
    tpu.enqueue_dma source(%dma_start3A_444 : memref<640x16xf32, #tpu.memory_space<vmem_shared>>) target(%dma_start3A_442 : memref<640x16xf32, #tpu.memory_space<hbm>>) target_semaphore(%arg20 : memref<!tpu.dma_semaphore, #tpu.memory_space<semaphore_mem>>)
    %dma_wait3A_445 = arith.constant 0 : i32
    %dma_wait3A_446 = tpu.memref_slice %arg5[%arg0, %mul3A_8, %dma_wait3A_445] : memref<2x10000x64xf32, #tpu.memory_space<hbm>> -> memref<1x640x64xf32, #tpu.memory_space<hbm>>
    %dma_wait3A_447 = tpu.memref_squeeze %dma_wait3A_446 : memref<1x640x64xf32, #tpu.memory_space<hbm>> -> memref<640x64xf32, #tpu.memory_space<hbm>>
    %dma_wait3A_448 = arith.constant 0 : i32
    %dma_wait3A_449 = tpu.memref_slice %arg17[%mul3A_8, %dma_wait3A_448] : memref<10000x64xf32, #tpu.memory_space<vmem_shared>> -> memref<640x64xf32, #tpu.memory_space<vmem_shared>>
    tpu.wait_dma2 semaphore(%arg19 : memref<!tpu.dma_semaphore, #tpu.memory_space<semaphore_mem>>) src(%dma_wait3A_449 : memref<640x64xf32, #tpu.memory_space<vmem_shared>>) dst(%dma_wait3A_447 : memref<640x64xf32, #tpu.memory_space<hbm>>)
    %dma_wait3A_450 = arith.constant 0 : i32
    %dma_wait3A_451 = tpu.memref_slice %arg6[%arg0, %mul3A_8, %dma_wait3A_450] : memref<2x10000x16xf32, #tpu.memory_space<hbm>> -> memref<1x640x16xf32, #tpu.memory_space<hbm>>
    %dma_wait3A_452 = tpu.memref_squeeze %dma_wait3A_451 : memref<1x640x16xf32, #tpu.memory_space<hbm>> -> memref<640x16xf32, #tpu.memory_space<hbm>>
    %dma_wait3A_453 = arith.constant 0 : i32
    %dma_wait3A_454 = tpu.memref_slice %arg18[%mul3A_8, %dma_wait3A_453] : memref<10000x16xf32, #tpu.memory_space<vmem_shared>> -> memref<640x16xf32, #tpu.memory_space<vmem_shared>>
    tpu.wait_dma2 semaphore(%arg20 : memref<!tpu.dma_semaphore, #tpu.memory_space<semaphore_mem>>) src(%dma_wait3A_454 : memref<640x16xf32, #tpu.memory_space<vmem_shared>>) dst(%dma_wait3A_452 : memref<640x16xf32, #tpu.memory_space<hbm>>)
    return
  }
}

module attributes {stable_mosaic.version = 14 : i64} {
  func.func @_tc_body(%arg0: i32, %arg1: memref<1x1xf32, #tpu.memory_space<smem>>, %arg2: memref<2000x128xf32, #tpu.memory_space<vmem>>, %arg3: memref<2x2000x64xf32, #tpu.memory_space<vmem>>, %arg4: memref<2x2000x16xf32, #tpu.memory_space<vmem>>, %arg5: memref<256x128xf32, #tpu.memory_space<vmem>>, %arg6: memref<1x128xf32, #tpu.memory_space<vmem>>, %arg7: memref<2000x128xf32, #tpu.memory_space<vmem>>) attributes {dimension_semantics = [#tpu.dimension_semantics<arbitrary>], iteration_bounds = array<i64: 5>, scalar_prefetch = 0 : i64, scratch_operands = 0 : i64, tpu.core_type = #tpu.core_type<tc>, window_params = [{transform_indices = @transform_0, window_bounds = array<i64: 1, 1>}, {transform_indices = @transform_1, window_bounds = array<i64: 2000, 128>}, {transform_indices = @transform_2, window_bounds = array<i64: 2, 2000, 64>}, {transform_indices = @transform_3, window_bounds = array<i64: 2, 2000, 16>}, {pipeline_mode = #tpu.pipeline_mode<synchronous>, transform_indices = @transform_4, window_bounds = array<i64: 256, 128>}, {pipeline_mode = #tpu.pipeline_mode<synchronous>, transform_indices = @transform_5, window_bounds = array<i64: 1, 128>}, {transform_indices = @transform_6, window_bounds = array<i64: 2000, 128>}]} {
    %get3A = arith.constant 0 : index
    %get3A_0 = arith.constant 0 : index
    %get3A_1 = vector.load %arg2[%get3A, %get3A_0] : memref<2000x128xf32, #tpu.memory_space<vmem>>, vector<2000x128xf32>
    %get3A_2 = arith.constant 0 : index
    %get3A_3 = arith.constant 0 : index
    %get3A_4 = arith.constant 0 : index
    %get3A_5 = vector.load %arg4[%get3A_2, %get3A_3, %get3A_4] : memref<2x2000x16xf32, #tpu.memory_space<vmem>>, vector<1x2000x16xf32>
    %get3A_6 = vector.shape_cast %get3A_5 : vector<1x2000x16xf32> to vector<2000x16xf32>
    %get3A_7 = arith.constant 1 : index
    %get3A_8 = arith.constant 0 : index
    %get3A_9 = arith.constant 0 : index
    %get3A_10 = vector.load %arg4[%get3A_7, %get3A_8, %get3A_9] : memref<2x2000x16xf32, #tpu.memory_space<vmem>>, vector<1x2000x16xf32>
    %get3A_11 = vector.shape_cast %get3A_10 : vector<1x2000x16xf32> to vector<2000x16xf32>
    %add3A = arith.addf %get3A_6, %get3A_11 : vector<2000x16xf32>
    %slice3A = vector.extract_strided_slice %add3A {offsets = [0, 0], sizes = [2000, 1], strides = [1, 1]} : vector<2000x16xf32> to vector<2000x1xf32>
    %max3A = arith.constant 1.000000e+00 : f32
    %max3A_12 = vector.broadcast %max3A : f32 to vector<2000x1xf32>
    %max3A_13 = arith.maximumf %slice3A, %max3A_12 : vector<2000x1xf32>
    %get3A_14 = arith.constant 0 : index
    %get3A_15 = arith.constant 0 : index
    %get3A_16 = arith.constant 0 : index
    %get3A_17 = vector.load %arg3[%get3A_14, %get3A_15, %get3A_16] : memref<2x2000x64xf32, #tpu.memory_space<vmem>>, vector<1x2000x64xf32>
    %get3A_18 = vector.shape_cast %get3A_17 : vector<1x2000x64xf32> to vector<2000x64xf32>
    %div3A = vector.broadcast %max3A_13 : vector<2000x1xf32> to vector<2000x64xf32>
    %div3A_19 = arith.divf %get3A_18, %div3A : vector<2000x64xf32>
    %get3A_20 = arith.constant 1 : index
    %get3A_21 = arith.constant 0 : index
    %get3A_22 = arith.constant 0 : index
    %get3A_23 = vector.load %arg3[%get3A_20, %get3A_21, %get3A_22] : memref<2x2000x64xf32, #tpu.memory_space<vmem>>, vector<1x2000x64xf32>
    %get3A_24 = vector.shape_cast %get3A_23 : vector<1x2000x64xf32> to vector<2000x64xf32>
    %div3A_25 = vector.broadcast %max3A_13 : vector<2000x1xf32> to vector<2000x64xf32>
    %div3A_26 = arith.divf %get3A_24, %div3A_25 : vector<2000x64xf32>
    %get3A_27 = arith.constant 0 : index
    %get3A_28 = arith.constant 0 : index
    %get3A_29 = vector.load %arg5[%get3A_27, %get3A_28] : memref<256x128xf32, #tpu.memory_space<vmem>>, vector<256x128xf32>
    %slice3A_30 = vector.extract_strided_slice %get3A_29 {offsets = [0, 0], sizes = [128, 128], strides = [1, 1]} : vector<256x128xf32> to vector<128x128xf32>
    %dot_general3A = arith.constant dense<0.000000e+00> : vector<2000x128xf32>
    %dot_general3A_31 = tpu.matmul %get3A_1, %slice3A_30, %dot_general3A {dimension_numbers = #tpu.dot_dimension_numbers<[1], [0], [0], [1], [0, 0, 1, 1], [], []>, transpose_lhs_hint = false} : vector<2000x128xf32>, vector<128x128xf32>, vector<2000x128xf32> -> vector<2000x128xf32>
    %slice3A_32 = vector.extract_strided_slice %get3A_29 {offsets = [128, 0], sizes = [64, 128], strides = [1, 1]} : vector<256x128xf32> to vector<64x128xf32>
    %dot_general3A_33 = arith.constant dense<0.000000e+00> : vector<2000x128xf32>
    %dot_general3A_34 = tpu.matmul %div3A_19, %slice3A_32, %dot_general3A_33 {dimension_numbers = #tpu.dot_dimension_numbers<[1], [0], [0], [1], [0, 0, 1, 1], [], []>, transpose_lhs_hint = false} : vector<2000x64xf32>, vector<64x128xf32>, vector<2000x128xf32> -> vector<2000x128xf32>
    %add3A_35 = arith.addf %dot_general3A_31, %dot_general3A_34 : vector<2000x128xf32>
    %slice3A_36 = vector.extract_strided_slice %get3A_29 {offsets = [192, 0], sizes = [64, 128], strides = [1, 1]} : vector<256x128xf32> to vector<64x128xf32>
    %dot_general3A_37 = arith.constant dense<0.000000e+00> : vector<2000x128xf32>
    %dot_general3A_38 = tpu.matmul %div3A_26, %slice3A_36, %dot_general3A_37 {dimension_numbers = #tpu.dot_dimension_numbers<[1], [0], [0], [1], [0, 0, 1, 1], [], []>, transpose_lhs_hint = false} : vector<2000x64xf32>, vector<64x128xf32>, vector<2000x128xf32> -> vector<2000x128xf32>
    %add3A_39 = arith.addf %add3A_35, %dot_general3A_38 : vector<2000x128xf32>
    %get3A_40 = arith.constant 0 : index
    %get3A_41 = arith.constant 0 : index
    %get3A_42 = vector.load %arg6[%get3A_40, %get3A_41] : memref<1x128xf32, #tpu.memory_space<vmem>>, vector<1x128xf32>
    %add3A_43 = vector.broadcast %get3A_42 : vector<1x128xf32> to vector<2000x128xf32>
    %add3A_44 = arith.addf %add3A_39, %add3A_43 : vector<2000x128xf32>
    %get3A_45 = arith.constant 0 : index
    %get3A_46 = arith.constant 0 : index
    %get3A_47 = memref.load %arg1[%get3A_45, %get3A_46] : memref<1x1xf32, #tpu.memory_space<smem>>
    %add3A_48 = vector.broadcast %get3A_47 : f32 to vector<2000x128xf32>
    %add3A_49 = arith.addf %add3A_44, %add3A_48 : vector<2000x128xf32>
    %swap3A = arith.constant 0 : index
    %swap3A_50 = arith.constant 0 : index
    %swap3A_51 = vector.load %arg7[%swap3A, %swap3A_50] : memref<2000x128xf32, #tpu.memory_space<vmem>>, vector<2000x128xf32>
    tpu.vector_store %arg7[%swap3A, %swap3A_50], %add3A_49 {strides = array<i32>} : memref<2000x128xf32, #tpu.memory_space<vmem>>, vector<2000x128xf32>,
    return
  }
  func.func @transform_0(%arg0: i32) -> (i32, i32) {
    %c0_i32 = arith.constant 0 : i32
    %c0_i32_0 = arith.constant 0 : i32
    %c0_i32_1 = arith.constant 0 : i32
    return %c0_i32, %c0_i32_0 : i32, i32
  }
  func.func @transform_1(%arg0: i32) -> (i32, i32) {
    %c0_i32 = arith.constant 0 : i32
    %c0_i32_0 = arith.constant 0 : i32
    return %arg0, %c0_i32 : i32, i32
  }
  func.func @transform_2(%arg0: i32) -> (i32, i32, i32) {
    %c0_i32 = arith.constant 0 : i32
    %c0_i32_0 = arith.constant 0 : i32
    %c0_i32_1 = arith.constant 0 : i32
    return %c0_i32, %arg0, %c0_i32_0 : i32, i32, i32
  }
  func.func @transform_3(%arg0: i32) -> (i32, i32, i32) {
    %c0_i32 = arith.constant 0 : i32
    %c0_i32_0 = arith.constant 0 : i32
    %c0_i32_1 = arith.constant 0 : i32
    return %c0_i32, %arg0, %c0_i32_0 : i32, i32, i32
  }
  func.func @transform_4(%arg0: i32) -> (i32, i32) {
    %c0_i32 = arith.constant 0 : i32
    %c0_i32_0 = arith.constant 0 : i32
    %c0_i32_1 = arith.constant 0 : i32
    return %c0_i32, %c0_i32_0 : i32, i32
  }
  func.func @transform_5(%arg0: i32) -> (i32, i32) {
    %c0_i32 = arith.constant 0 : i32
    %c0_i32_0 = arith.constant 0 : i32
    %c0_i32_1 = arith.constant 0 : i32
    return %c0_i32, %c0_i32_0 : i32, i32
  }
  func.func @transform_6(%arg0: i32) -> (i32, i32) {
    %c0_i32 = arith.constant 0 : i32
    %c0_i32_0 = arith.constant 0 : i32
    return %arg0, %c0_i32 : i32, i32
  }
}

</mosaic_0001>

<sc_bundles>
// kernel: kernel.4.cloned.1.call-start
scs
__scs_entry_jumppad:
0x0: {  	(pc) =	sbr.rel $0x88, $3  }
0x1: {  	(tag) =	ssettag $0x0;
	lr =	simm.s32 $0x1  }
0x2: {  	[smem:$0x3F9B] =	sst lr;
	_ =	strace $0xD0000000  }
0x3: {  	_ = 	snop  }
0x4: {  	_ = 	snop  }
0x5: {  	_ = 	snop  }
0x6: {  	_ = 	snop  }
0x7: {  	_ = 	snop  }
__scs_overlays_trampoline_lowered:
0x8: {  	[smem:$0x3FAA] =	sst s0  }
0x9: {  	[smem:$0x3FAB] =	sst s1  }
0xa: {  	[smem:$0x3FAC] =	sst s2  }
0xb: {  	[smem:$0x3FAD] =	sst s3  }
0xc: {  	[smem:$0x3FAE] =	sst s4  }
0xd: {  	[smem:$0x3FAF] =	sst s5  }
0xe: {  	[smem:$0x3FB0] =	sst s6  }
0xf: {  	[smem:$0x3FB1] =	sst s7  }
0x10: {  	[smem:$0x3FB2] =	sst s8  }
0x11: {  	[smem:$0x3FB3] =	sst s9;
	s0 =	simm.s32 @!p0 $0x0  }
0x12: {  	s1 =	sld [smem:$0x3F99];
	s0 =	simm.s32 @p0 $0x1  }
0x13: {  	[smem:$0x3FB4] =	sst s0;
	s0 =	simm.s32 @!p1 $0x0  }
0x14: {  	s2 =	sld [smem:$0x3F98];
	s0 =	simm.s32 @p1 $0x1  }
0x15: {  	[smem:$0x3FB5] =	sst s0;
	s0 =	simm.s32 @!p2 $0x0  }
0x16: {  	s3 =	sld [smem:$0x3FDB];
	s0 =	simm.s32 @p2 $0x1  }
0x17: {  	s4 =	simm.s32 $0x1BF5;
	[smem:$0x3FB7] =	sst s0  }
0x18: {  	s0 =	sld [smem:$0x3F9A];
	_ =	swait.ge [sflag:s4], $0x0  }
0x19: {  	s7 =	sld [smem:$0x3F9B]  }
0x1a: {  	s8 =	sadd.s32 $0xFFFFE003, lr  }
0x1b: {  	s9 =	sadd.s32 $0xFFFFFEF7, lr;
	s5 =	simm.s32 $0xFFFFFFFF;
	p2 =	slt.u32 s8, $0xFFFFF086  }
0x1c: {  	p1 =	slt.u32 s9, $0xF7A;
	s5 =	simm.s32 @!p2 $0x0  }
0x1d: {  	s5 =	simm.s32 @p1 $0x1;
	p0 =	seq.s32 s7, s2  }
0x1e: {  	s7 =	smul.u32 @!p0 $0xF7A, s2;
	p2 =	seq.s32 @!p0 s5, $0x0  }
0x1f: {  	s9 =	smul.u32 $0xF7A, s1;
	s8 =	simm.s32 @!p0 $0x1BF5;
	p2 =	por !p2, p0  }
0x20: {  	[sflag:s8] =	ssyncset.s32 @!p0 $0xFFFFF086;
	s6 =	sadd.s32 @!p0 s3, s7;
	s7 =	simm.s32 @!p0 $0x108  }
0x21: {  	s3 =	sadd.s32 s3, s9;
	s6 =	sadd.s32 @!p0 $0x88, s6;
	s7 =	simm.s32 @p2 $0x1082  }
0x22: {  	[simem:s7], [sflag:s8] =	dma.local @!p0 [hbm:s6], $0xF7A  }
0x23: {  	s9 =	sor.u32 $0xD0000000, s2;
	s6 =	simm.s32 $0x108;
	_ =	swait.ge @!p0 [sflag:s8], $0x0  }
0x24: {  	s3 =	sadd.s32 $0x88, s3;
	s6 =	simm.s32 @!p1 $0x1082;
	[sflag:s4] =	ssyncset.s32 $0xFFFFF086  }
0x25: {  	[simem:s6], [sflag:s4] =	dma.local [hbm:s3], $0xF7A  }
0x26: {  	[smem:$0x3F9B] =	sst s1;
	(tag) =	ssettag s2;
	_ =	strace s9  }
0x27: {  	s1 =	sld [smem:$0x3FAB]  }
0x28: {  	s2 =	sld [smem:$0x3FAC]  }
0x29: {  	s4 =	sld [smem:$0x3FAE]  }
0x2a: {  	p0 =	seq.s32 s5, $0x0;
	s5 =	sld [smem:$0x3FAF]  }
0x2b: {  	s6 =	sld [smem:$0x3FB0]  }
0x2c: {  	s7 =	sld [smem:$0x3FB1]  }
0x2d: {  	s3 =	simm.s32 $0x108;
	s8 =	sld [smem:$0x3FB2]  }
0x2e: {  	s3 =	simm.s32 @!p0 $0x1082;
	s9 =	sld [smem:$0x3FB3]  }
0x2f: {  	lr =	sadd.s32 s0, s3;
	s0 =	sld [smem:$0x3FAA]  }
0x30: {  	s3 =	sld [smem:$0x3FAD]  }
0x31: {  	[smem:$0x3FB6] =	sst s10  }
0x32: {  	s10 =	sld [smem:$0x3FB4];
	_ =	sdelay $0x3  }
0x33: {  	p0 =	seq.s32 s10, $0x1;
	s10 =	sld [smem:$0x3FB6];
	_ =	sdelay $0x3  }
0x34: {  	[smem:$0x3FB6] =	sst s10  }
0x35: {  	s10 =	sld [smem:$0x3FB5];
	_ =	sdelay $0x3  }
0x36: {  	p1 =	seq.s32 s10, $0x1;
	s10 =	sld [smem:$0x3FB6];
	_ =	sdelay $0x3  }
0x37: {  	[smem:$0x3FB6] =	sst s10  }
0x38: {  	s10 =	sld [smem:$0x3FB7]  }
0x39: {  	_ = 	snop;
	(pc) =	sbr.ind lr, $3  }
0x3a: {  	_ = 	snop  }
0x3b: {  	_ = 	snop  }
0x3c: {  	p2 =	seq.s32 s10, $0x1;
	s10 =	sld [smem:$0x3FB6]  }
0x3d: {  	_ =	shalt  }
0x3e: {  	_ =	shalt  }
0x3f: {  	_ =	shalt  }
0x40: {  	_ =	shalt  }
0x41: {  	_ =	shalt  }
0x42: {  	_ =	shalt  }
0x43: {  	_ =	shalt  }
0x44: {  	_ =	shalt  }
0x45: {  	_ =	shalt  }
0x46: {  	_ =	shalt  }
0x47: {  	_ =	shalt  }
0x48: {  	_ =	shalt  }
0x49: {  	_ =	shalt  }
0x4a: {  	_ =	shalt  }
0x4b: {  	_ =	shalt  }
0x4c: {  	_ =	shalt  }
0x4d: {  	_ =	shalt  }
0x4e: {  	_ =	shalt  }
0x4f: {  	_ =	shalt  }
0x50: {  	_ =	shalt  }
0x51: {  	_ =	shalt  }
0x52: {  	_ =	shalt  }
0x53: {  	_ =	shalt  }
0x54: {  	_ =	shalt  }
0x55: {  	_ =	shalt  }
0x56: {  	_ =	shalt  }
0x57: {  	_ =	shalt  }
0x58: {  	_ =	shalt  }
0x59: {  	_ =	shalt  }
0x5a: {  	_ =	shalt  }
0x5b: {  	_ =	shalt  }
0x5c: {  	_ =	shalt  }
0x5d: {  	_ =	shalt  }
0x5e: {  	_ =	shalt  }
0x5f: {  	_ =	shalt  }
0x60: {  	_ =	shalt  }
0x61: {  	_ =	shalt  }
0x62: {  	_ =	shalt  }
0x63: {  	_ =	shalt  }
0x64: {  	_ =	shalt  }
0x65: {  	_ =	shalt  }
0x66: {  	_ =	shalt  }
0x67: {  	_ =	shalt  }
0x68: {  	_ =	shalt  }
0x69: {  	_ =	shalt  }
0x6a: {  	_ =	shalt  }
0x6b: {  	_ =	shalt  }
0x6c: {  	_ =	shalt  }
0x6d: {  	_ =	shalt  }
0x6e: {  	_ =	shalt  }
0x6f: {  	_ =	shalt  }
0x70: {  	_ =	shalt  }
0x71: {  	_ =	shalt  }
0x72: {  	_ =	shalt  }
0x73: {  	_ =	shalt  }
0x74: {  	_ =	shalt  }
0x75: {  	_ =	shalt  }
0x76: {  	_ =	shalt  }
0x77: {  	_ =	shalt  }
0x78: {  	_ =	shalt  }
0x79: {  	_ =	shalt  }
0x7a: {  	_ =	shalt  }
0x7b: {  	_ =	shalt  }
0x7c: {  	_ =	shalt  }
0x7d: {  	_ =	shalt  }
0x7e: {  	_ =	shalt  }
0x7f: {  	_ =	shalt  }
0x80: {  	_ =	shalt  }
0x81: {  	_ =	shalt  }
0x82: {  	_ =	shalt  }
0x83: {  	_ =	shalt  }
0x84: {  	_ =	shalt  }
0x85: {  	_ =	shalt  }
0x86: {  	_ =	shalt  }
0x87: {  	_ =	shalt  }
.Lfunc_end0:
.L_simem_size_0:
called_computation_lowered:
.L_overlay_start_0:
0x88: {  	s2 =	sld [smem:$0x3FD9]  }
0x89: {  	s3 =	sld [smem:$0x3FFE];
	_ =	sdelay $0x1  }
0x8a: {  	s1 =	srdreg.scid  }
0x8b: {  	s0 =	sand.u32 $0x1, s1  }
0x8c: {  	s17 =	sshll.u32 s0, $0xA;
	s2 =	sadd.s32 s3, s2  }
0x8d: {  	s2 =	sadd.s32 s2, s17  }
0x8e: {  	[smem:$0x3FC2] =	sst s2  }
0x8f: {  	_ = 	snop  }
0x90: {  	s2 =	sld [smem:$0x3FC8]  }
0x91: {  	s18 =	sld [smem:$0x3FC7]  }
0x92: {  	s4 =	sld [smem:$0x3FD0];
	(tm) =	ssettm $0x1  }
0x93: {  	s5 =	sld [smem:$0x3FFB];
	_ =	sdelay $0x3  }
0x94: {  	_ =	strace s5  }
0x95: {  	s5 =	sld [smem:$0x3FFC];
	_ =	sdelay $0x3  }
0x96: {  	_ =	strace s5  }
0x97: {  	s5 =	sld [smem:$0x3FFD];
	_ =	sdelay $0x3  }
0x98: {  	_ =	strace s5  }
0x99: {  	_ =	strace $0x8FFFFFFF  }
0x9a: {  	s19 =	sld [smem:$0x3FDB];
	_ =	sdelay $0x1  }
0x9b: {  	s6 =	simm.s32 $_scs_section_size  }
0x9c: {  	s7 =	simm.s32 $_size__tile_overlayer_lowered;
	s8 =	simm.s32 $_tile_overlayer_lowered  }
0x9d: {  	s22 =	simm.s32 $0x1BFF;
	s21 =	sshll.u32 s8, $0x1;
	s5 =	sadd.s32 s6, s19  }
0x9e: {  	s9 =	simm.s32 $0x0;
	s20 =	sshll.u32 s7, $0x1;
	s7 =	sadd.s32 s21, s5  }
0x9f: {  	[timem:s9], [sflag:s22] =	dma.local [hbm:s7], s20  }
0xa0: {  	_ =	swait.ge [sflag:s22], s20  }
0xa1: {  	s6 =	ssub.s32 $0x0, s20;
	[sflag:s22] =	ssyncset.done $0x0  }
0xa2: {  	[sflag:s22] =	ssyncadd.s32 s6;
	_ =	sdelay $0x1  }
0xa3: {  	s23 =	simm.s32 $0x1B8B  }
0xa4: {  	_ =	swait.ge [sflag:s23], $0x1  }
0xa5: {  	[sflag:s23] =	ssyncset.done $0x0  }
0xa6: {  	s25 =	simm.s32 $0x1B8E;
	s24 =	sld [smem:$0x3FFE];
	[sflag:s23] =	ssyncadd.s32 $0xFFFFFFFF  }
0xa7: {  	s26 =	simm.s32 $execute0_lowered;
	[smem:$0x3FD2] =	sst s25  }
0xa8: {  	s7 =	sshll.u32 s26, $0x1;
	_ =	strace $0x80000046;
	[dreg:$0x1] =	wrdreg $0xFFFFFFFF  }
0xa9: {  	s28 =	simm.s32 $_size_execute0_lowered;
	s5 =	sadd.s32 s5, s7;
	[dreg:$0x0] =	wrdreg $0x0  }
0xaa: {  	s7 =	sshll.u32 s28, $0x1;
	[dreg:$0x2] =	wrdreg s5  }
0xab: {  	[dreg:$0x3] =	wrdreg s7  }
0xac: {  	[dreg:$0x4] =	wrdreg $0xC0  }
0xad: {  	_ =	task [dreg:s9], $0x5FFFF  }
0xae: {  	[dreg:$0x1] =	wrdreg $0xFFFFFFFF  }
0xaf: {  	[dreg:$0x0] =	wrdreg $0x60  }
0xb0: {  	[dreg:$0x2] =	wrdreg s4  }
0xb1: {  	[dreg:$0x3] =	wrdreg s2  }
0xb2: {  	[dreg:$0x4] =	wrdreg s18  }
0xb3: {  	[dreg:$0x5] =	wrdreg s24  }
0xb4: {  	[dreg:$0x6] =	wrdreg $0x11E400  }
0xb5: {  	[dreg:$0x7] =	wrdreg $0x1BA800  }
0xb6: {  	[dreg:$0x8] =	wrdreg $0x9  }
0xb7: {  	_ =	task.clear_ibuf [dreg:s9], $0x9FFFF;
	_ =	strace $0x90000046  }
0xb8: {  	s29 =	simm.s32 $0x9;
	_ =	strace $0x80000048  }
0xb9: {  	_ =	swait.ge [sflag:s29], $0x1  }
0xba: {  	[sflag:s29] =	ssyncadd.s32 $0xFFFFFFFF  }
0xbb: {  	_ =	strace $0x90000048  }
0xbc: {  	_ =	sfence  }
0xbd: {  	s30 =	sld [smem:$0x0];
	_ =	sdelay $0x2  }
0xbe: {  	s31 =	sshll.u32 s1, $0xD;
	s1 =	sshrl.u32 s1, $0x2  }
0xbf: {  	s3 =	sand.u32 $0x4000, s31;
	s1 =	sadd.s32 s1, s30  }
0xc0: {  	s0 =	sor.u32 s3, s0;
	s1 =	sshll.u32 s1, $0x11  }
0xc1: {  	s0 =	sor.u32 s1, s0  }
0xc2: {  	s0 =	sadd.s32 $0x8F2B, s0  }
0xc3: {  	[sflag:s0] =	ssyncadd.remote.s32 $0x1  }
0xc4: {  	_ =	sfence.sel $0xFFFF  }
0xc5: {  	[dreg:$0x0] =	wrdreg $0xFFFFFFFF;
	(pc) =	sbr.abs _section_cstart, $3  }
0xc6: {  	[dreg:$0x1] =	wrdreg $0xFFFFFFFF  }
0xc7: {  	_ =	task.clear_ibuf [dreg:s9], $0x2FFFF;
	_ =	strace $0x9FFFFFFF  }
0xc8: {  	(tm) =	ssettm $0x7FFFFFFF  }
0xc9: {  	_ =	shalt  }
tec
execute0_lowered:
.L_overlay_start_1:
0x0: {  	(tag) =	ssettag $0x1  }
0x1: {  	s0 =	rddreg [dreg:$0x0]  }
0x2: {  	s1 =	rddreg [dreg:$0x1]  }
0x3: {  	s6 =	rddreg [dreg:$0x2];
	s15 =	stileid.u32  }
0x4: {  	s7 =	rddreg [dreg:$0x3];
	s8 =	smul.u32 $0x9C00, s15  }
0x5: {  	s3 =	srdreg.scid;
	s9 =	smul.u32 $0x2700, s15  }
0x6: {  	s2 =	rddreg [dreg:$0x4];
	s14 =	smul.u32 $0x9C4, s15  }
0x7: {  	s4 =	rddreg [dreg:$0x5];
	s3 =	sand.u32 $0x1, s3;
	s15 =	smul.u32 $0x270, s15  }
0x8: {  	s5 =	simm.s32 $0x0;
	s29 =	simm.s32 $0x2;
	s10 =	smul.u32 $0x9C400, s3  }
0x9: {  	[smem:$0x7FF] =	sst s5;
	s12 =	smul.u32 $0x27100, s3;
	s13 =	ssub.s32 $0x2, s3  }
0xa: {  	_ =	strace $0x80000047;
	p0 =	seq.s32 s3, $0x0;
	s16 =	sshrl.u32 s13, $0x1  }
0xb: {  	s1 =	sadd.s32 s1, s14;
	s17 =	sadd.s32 s6, s14;
	s25 =	sadd.s32 s8, s2  }
0xc: {  	s26 =	sadd.s32 s9, s4;
	s18 =	sadd.s32 $0x50, s15;
	s20 =	sadd.s32 $0xA0, s15  }
0xd: {  	s23 =	sadd.s32 $0xF0, s15;
	s28 =	sadd.s32 $0x140, s15;
	[dreg:$0x7] =	wrdreg s1  }
0xe: {  	s11 =	sadd.s32 s8, s10;
	s12 =	sadd.s32 s9, s12;
	[dreg:$0x8] =	wrdreg s17  }
0xf: {  	s19 =	sshll.u32 s18, $0x6;
	s1 =	sshll.u32 s18, $0x4;
	s21 =	sshll.u32 s20, $0x6  }
0x10: {  	s22 =	sshll.u32 s20, $0x4;
	s24 =	sshll.u32 s23, $0x6;
	s30 =	sshll.u32 s23, $0x4  }
0x11: {  	s31 =	sshll.u32 s28, $0x6;
	s8 =	sshll.u32 s28, $0x4;
	[dreg:$0x9] =	wrdreg s25  }
0x12: {  	s9 =	sadd.s32 $0x190, s15;
	[dreg:$0xa] =	wrdreg s26;
	s11 =	sshrl.u32 s11, $0x3  }
0x13: {  	s12 =	sshrl.u32 s12, $0x3;
	s6 =	sadd.s32 s19, s2;
	s1 =	sadd.s32 s1, s4  }
0x14: {  	s14 =	sshll.u32 s9, $0x6;
	s11 =	sadd.s32 s11, s7;
	[dreg:$0xb] =	wrdreg s6  }
0x15: {  	s7 =	sadd.s32 s12, s7;
	s12 =	ssub.s32 s13, s16;
	[dreg:$0xc] =	wrdreg s1  }
0x16: {  	s1 =	sadd.s32 s21, s2;
	s6 =	sadd.s32 s31, s2;
	s13 =	sshrl.u32 s10, $0x3  }
0x17: {  	s16 =	sadd.s32 $0x1E0, s15;
	s17 =	sadd.s32 s14, s2;
	s21 =	sadd.s32 $0x230, s15  }
0x18: {  	s10 =	simm.s32 $0x9C40;
	s14 =	simm.s32 $0xEC40;
	[dreg:$0xd] =	wrdreg s1  }
0x19: {  	s15 =	simm.s32 $0x3;
	s1 =	sadd.s32 s22, s4;
	[dreg:$0x11] =	wrdreg s6  }
0x1a: {  	s18 =	sadd.s32 s0, s13;
	[dreg:$0x13] =	wrdreg s17;
	s19 =	sshll.u32 s16, $0x6  }
0x1b: {  	s0 =	sshll.u32 s16, $0x4;
	s28 =	sadd.s32 $0x1800, s11;
	[dreg:$0xe] =	wrdreg s1  }
0x1c: {  	s22 =	sshll.u32 s21, $0x6;
	s31 =	smax.u32 s12, $0x1;
	[dreg:$0x19] =	wrdreg s28  }
0x1d: {  	s6 =	simm.s32 $0x7;
	s1 =	sadd.s32 s24, s2;
	[dreg:$0x1b] =	wrdreg s31  }
0x1e: {  	s11 =	simm.s32 $0xB040;
	s20 =	sadd.s32 s19, s2;
	[dreg:$0xf] =	wrdreg s1  }
0x1f: {  	s12 =	simm.s32 $0xC440;
	s0 =	sadd.s32 s0, s4;
	[dreg:$0x15] =	wrdreg s20  }
0x20: {  	s13 =	simm.s32 $0xD840;
	s23 =	sadd.s32 s22, s2;
	[dreg:$0x16] =	wrdreg s0  }
0x21: {  	s16 =	simm.s32 $0x4;
	s1 =	sadd.s32 s30, s4;
	[dreg:$0x17] =	wrdreg s23  }
0x22: {  	s17 =	simm.s32 $0x5;
	[dreg:$0x10] =	wrdreg s1;
	s1 =	sadd.s32 s8, s4  }
0x23: {  	s19 =	simm.s32 $0x8;
	[dreg:$0x12] =	wrdreg s1;
	s1 =	sshll.u32 s9, $0x4  }
0x24: {  	s30 =	sadd.s32 $0x28A00, s7;
	s0 =	simm.s32 $0x6;
	s1 =	sadd.s32 s1, s4  }
0x25: {  	s7 =	simm.s32 $0x50;
	[dreg:$0x14] =	wrdreg s1;
	s1 =	sshll.u32 s21, $0x4  }
0x26: {  	s20 =	simm.s32 $0x9;
	[dreg:$0x1a] =	wrdreg s30;
	s24 =	sadd.s32 s1, s4  }
0x27: {  	v0 =	vimm.f32 $1.000000000e+00;
	v1 =	vimm.f32 $0.0e+00;
	s21 =	simm.s32 $0xA;
	s1 =	simm.s32 $0x1;
	[dreg:$0x18] =	wrdreg s24  }
.LBB2_1:
0x28: {  	s23 =	simm.s32 $0x0  }
0x29: {  	[tilespmem:s23+$0x10040] =	vst v0  }
0x2a: {  	s22 =	simm.s32 $0x10560;
	[tilespmem:s23+$0x11940] =	vst v1  }
0x2b: {  	[tilespmem:s22+$0xFFFFFFF0] =	vst v1  }
0x2c: {  	[tilespmem:s22+$0xFFFFFFE0] =	vst v1  }
0x2d: {  	s23 =	simm.s32 $0x40;
	[tilespmem:s22+$0x0] =	vst v1  }
.LBB2_2:
0x2e: {  	s24 =	sshra.s32 s23, $0x2;
	[tilespmem:s22+$0x10] =	vst v1;
	p1 =	sne.s32 s23, $0x13C0  }
.Ltmp0:
0x2f: {  	[tilespmem:s24+$0x10040] =	vst v0;
	(pc) =	sbr.rel @p1 .LBB2_2-.Ltmp0, $4  }
0x30: {  	s23 =	sadd.s32 $0x40, s23;
	s22 =	sadd.s32 $0x40, s22;
	[tilespmem:s24+$0x11940] =	vst v1  }
0x31: {  	[tilespmem:s22+$0xFFFFFFF0] =	vst v1  }
0x32: {  	[tilespmem:s22+$0xFFFFFFE0] =	vst v1  }
0x33: {  	[tilespmem:s22+$0x0] =	vst v1  }
0x34: {  	[tilespmem:s22+$0x10] =	vst v1;
	s22 =	simm.s32 $0x0;
	s8 =	rddreg [dreg:$0x7]  }
0x35: {  	[tilespmem:s22], [sflag:$0x1] =	stream.linear.gather [hbm4b:s8+s22], $0x4E20, $0x38;
	[tilespmem:$0x1E190] =	vst v63  }
0x36: {  	s23 =	rddreg [dreg:$0x8];
	s9 =	simm.s32 $0x4E20  }
0x37: {  	[tilespmem:s9], [sflag:$0x2] =	stream.linear.gather [hbm4b:s23+s22], $0x4E20, $0x38;
	[tilespmem:$0x1E190] =	vst v63  }
0x38: {  	s9 =	simm.s32 $0x10540  }
0x39: {  	[spmem:s25] =	stream.linear.scatter [tilespmem:s9], [sflag:$0x6], $0x1400, $0x38;
	[tilespmem:$0x1E190] =	vst v63  }
0x3a: {  	s23 =	simm.s32 $0x11940  }
0x3b: {  	[spmem:s26] =	stream.linear.scatter [tilespmem:s23], [sflag:$0x7], $0x500, $0x38;
	[tilespmem:$0x1E190] =	vst v63  }
0x3c: {  	s24 =	rddreg [dreg:$0xb]  }
0x3d: {  	[spmem:s24] =	stream.linear.scatter [tilespmem:s9], [sflag:$0x6], $0x1400, $0x38;
	[tilespmem:$0x1E190] =	vst v63  }
0x3e: {  	s25 =	rddreg [dreg:$0xc]  }
0x3f: {  	[spmem:s25] =	stream.linear.scatter [tilespmem:s23], [sflag:$0x7], $0x500, $0x38;
	[tilespmem:$0x1E190] =	vst v63  }
0x40: {  	s26 =	rddreg [dreg:$0xd]  }
0x41: {  	[spmem:s26] =	stream.linear.scatter [tilespmem:s9], [sflag:$0x6], $0x1400, $0x38;
	[tilespmem:$0x1E190] =	vst v63  }
0x42: {  	s28 =	rddreg [dreg:$0xe]  }
0x43: {  	[spmem:s28] =	stream.linear.scatter [tilespmem:s23], [sflag:$0x7], $0x500, $0x38;
	[tilespmem:$0x1E190] =	vst v63  }
0x44: {  	s30 =	rddreg [dreg:$0xf]  }
0x45: {  	[spmem:s30] =	stream.linear.scatter [tilespmem:s9], [sflag:$0x6], $0x1400, $0x38;
	[tilespmem:$0x1E190] =	vst v63  }
0x46: {  	s31 =	rddreg [dreg:$0x10]  }
0x47: {  	[spmem:s31] =	stream.linear.scatter [tilespmem:s23], [sflag:$0x7], $0x500, $0x38;
	[tilespmem:$0x1E190] =	vst v63  }
0x48: {  	s24 =	rddreg [dreg:$0x11]  }
0x49: {  	[spmem:s24] =	stream.linear.scatter [tilespmem:s9], [sflag:$0x6], $0x1400, $0x38;
	[tilespmem:$0x1E190] =	vst v63  }
0x4a: {  	s25 =	rddreg [dreg:$0x12]  }
0x4b: {  	[spmem:s25] =	stream.linear.scatter [tilespmem:s23], [sflag:$0x7], $0x500, $0x38;
	[tilespmem:$0x1E190] =	vst v63  }
0x4c: {  	s26 =	rddreg [dreg:$0x13]  }
0x4d: {  	[spmem:s26] =	stream.linear.scatter [tilespmem:s9], [sflag:$0x6], $0x1400, $0x38;
	[tilespmem:$0x1E190] =	vst v63  }
0x4e: {  	s28 =	rddreg [dreg:$0x14]  }
0x4f: {  	[spmem:s28] =	stream.linear.scatter [tilespmem:s23], [sflag:$0x7], $0x500, $0x38;
	[tilespmem:$0x1E190] =	vst v63  }
0x50: {  	s30 =	rddreg [dreg:$0x15]  }
0x51: {  	[spmem:s30] =	stream.linear.scatter [tilespmem:s9], [sflag:$0x6], $0x1400, $0x38;
	[tilespmem:$0x1E190] =	vst v63  }
0x52: {  	s31 =	rddreg [dreg:$0x16]  }
0x53: {  	[spmem:s31] =	stream.linear.scatter [tilespmem:s23], [sflag:$0x7], $0x500, $0x38;
	[tilespmem:$0x1E190] =	vst v63  }
0x54: {  	s24 =	rddreg [dreg:$0x17]  }
0x55: {  	[spmem:s24] =	stream.linear.scatter [tilespmem:s9], [sflag:$0x6], $0x1400, $0x38;
	[tilespmem:$0x1E190] =	vst v63  }
0x56: {  	s25 =	rddreg [dreg:$0x18]  }
0x57: {  	[spmem:s25] =	stream.linear.scatter [tilespmem:s23], [sflag:$0x7], $0x500, $0x38;
	[tilespmem:$0x1E190] =	vst v63  }
0x58: {  	_ =	swait.ge [sflag:s1], $0x4E20  }
0x59: {  	[sflag:s1] =	ssyncset.done $0x0  }
0x5a: {  	[sflag:s1] =	ssyncadd.s32 $0xFFFFB1E0  }
0x5b: {  	_ =	swait.ge [sflag:s29], $0x4E20  }
0x5c: {  	[sflag:s29] =	ssyncset.done $0x0  }
0x5d: {  	[sflag:s29] =	ssyncadd.s32 $0xFFFFB1E0  }
0x5e: {  	_ =	swait.ge [sflag:s0], $0x1400  }
0x5f: {  	[sflag:s0] =	ssyncset.done $0x0  }
0x60: {  	[sflag:s0] =	ssyncadd.s32 $0xFFFFEC00  }
0x61: {  	_ =	swait.ge [sflag:s6], $0x500  }
0x62: {  	[sflag:s6] =	ssyncset.done $0x0  }
0x63: {  	[sflag:s6] =	ssyncadd.s32 $0xFFFFFB00  }
0x64: {  	_ =	swait.ge [sflag:s0], $0x1400  }
0x65: {  	[sflag:s0] =	ssyncset.done $0x0  }
0x66: {  	[sflag:s0] =	ssyncadd.s32 $0xFFFFEC00  }
0x67: {  	_ =	swait.ge [sflag:s6], $0x500  }
0x68: {  	[sflag:s6] =	ssyncset.done $0x0  }
0x69: {  	[sflag:s6] =	ssyncadd.s32 $0xFFFFFB00  }
0x6a: {  	_ =	swait.ge [sflag:s0], $0x1400  }
0x6b: {  	[sflag:s0] =	ssyncset.done $0x0  }
0x6c: {  	[sflag:s0] =	ssyncadd.s32 $0xFFFFEC00  }
0x6d: {  	_ =	swait.ge [sflag:s6], $0x500  }
0x6e: {  	[sflag:s6] =	ssyncset.done $0x0  }
0x6f: {  	[sflag:s6] =	ssyncadd.s32 $0xFFFFFB00  }
0x70: {  	_ =	swait.ge [sflag:s0], $0x1400  }
0x71: {  	[sflag:s0] =	ssyncset.done $0x0  }
0x72: {  	[sflag:s0] =	ssyncadd.s32 $0xFFFFEC00  }
0x73: {  	_ =	swait.ge [sflag:s6], $0x500  }
0x74: {  	[sflag:s6] =	ssyncset.done $0x0  }
0x75: {  	[sflag:s6] =	ssyncadd.s32 $0xFFFFFB00  }
0x76: {  	_ =	swait.ge [sflag:s0], $0x1400  }
0x77: {  	[sflag:s0] =	ssyncset.done $0x0  }
0x78: {  	[sflag:s0] =	ssyncadd.s32 $0xFFFFEC00  }
0x79: {  	_ =	swait.ge [sflag:s6], $0x500  }
0x7a: {  	[sflag:s6] =	ssyncset.done $0x0  }
0x7b: {  	[sflag:s6] =	ssyncadd.s32 $0xFFFFFB00  }
0x7c: {  	_ =	swait.ge [sflag:s0], $0x1400  }
0x7d: {  	[sflag:s0] =	ssyncset.done $0x0  }
0x7e: {  	[sflag:s0] =	ssyncadd.s32 $0xFFFFEC00  }
0x7f: {  	_ =	swait.ge [sflag:s6], $0x500  }
0x80: {  	[sflag:s6] =	ssyncset.done $0x0  }
0x81: {  	[sflag:s6] =	ssyncadd.s32 $0xFFFFFB00  }
0x82: {  	_ =	swait.ge [sflag:s0], $0x1400  }
0x83: {  	[sflag:s0] =	ssyncset.done $0x0  }
0x84: {  	[sflag:s0] =	ssyncadd.s32 $0xFFFFEC00  }
0x85: {  	_ =	swait.ge [sflag:s6], $0x500  }
0x86: {  	[sflag:s6] =	ssyncset.done $0x0  }
0x87: {  	[sflag:s6] =	ssyncadd.s32 $0xFFFFFB00  }
0x88: {  	_ =	swait.ge [sflag:s0], $0x1400  }
0x89: {  	[sflag:s0] =	ssyncset.done $0x0  }
0x8a: {  	[sflag:s0] =	ssyncadd.s32 $0xFFFFEC00  }
0x8b: {  	_ =	swait.ge [sflag:s6], $0x500  }
0x8c: {  	[sflag:s6] =	ssyncset.done $0x0  }
0x8d: {  	[sflag:s6] =	ssyncadd.s32 $0xFFFFFB00  }
0x8e: {  	[bflag:$0x0] =	sbarrier.arrive $0xFFFF  }
0x8f: {  	[tilespmem:s10], [sflag:$0x1] =	stream.indirect.gather [hbm4b:s18+s7], $0x40, s22, s7, $0xb8;
	[tilespmem:$0x1E190] =	vst v63  }
0x90: {  	_ = 	snop  }
0x91: {  	[tilespmem:s11], [sflag:$0x2] =	stream.indirect.gather [hbm4b:s18+s7], $0x40, s7, s7, $0xb8;
	[tilespmem:$0x1E190] =	vst v63  }
0x92: {  	s26 =	simm.s32 $0xA0  }
0x93: {  	[tilespmem:s12], [sflag:$0x3] =	stream.indirect.gather [hbm4b:s18+s7], $0x40, s26, s7, $0xb8;
	[tilespmem:$0x1E190] =	vst v63  }
0x94: {  	s28 =	simm.s32 $0xF0  }
0x95: {  	[tilespmem:s13], [sflag:$0x4] =	stream.indirect.gather [hbm4b:s18+s7], $0x40, s28, s7, $0xb8;
	[tilespmem:$0x1E190] =	vst v63  }
0x96: {  	s30 =	simm.s32 $0x140  }
0x97: {  	[tilespmem:s14], [sflag:$0x5] =	stream.indirect.gather [hbm4b:s18+s7], $0x40, s30, s7, $0xb8;
	[tilespmem:$0x1E190] =	vst v63  }
0x98: {  	_ =	swait.ge [sflag:s1], $0x1400  }
0x99: {  	s31 =	sand.u32 $0x1, s22;
	[sflag:s1] =	ssyncset.done $0x0  }
0x9a: {  	p1 =	sne.s32 s31, s3;
	s24 =	simm.s32 $0x4E20;
	[sflag:s1] =	ssyncadd.s32 $0xFFFFEC00  }
0x9b: {  	[spmem:s2] =	stream.indirect.scatter.add.f32 [tilespmem:s10], [sflag:$0x6], $0x40, s24, s7, $0xb8;
	[tilespmem:$0x1E190] =	vst v63  }
0x9c: {  	s25 =	simm.s32 @!p1 $0x50;
	s26 =	simm.s32 @!p1 $0x10040  }
0x9d: {  	[spmem:s4] =	stream.indirect.scatter.add.f32 @!p1 [tilespmem:s26], [sflag:$0x6], $0x10, s24, s25, $0xb8;
	[tilespmem:$0x1E190] =	vst v63  }
0x9e: {  	s9 =	sxor.u32 $0xFFFFFFFF, s22;
	_ =	swait.ge [sflag:s29], $0x1400  }
0x9f: {  	s24 =	sand.u32 $0x1, s9;
	[sflag:s29] =	ssyncset.done $0x0  }
0xa0: {  	s28 =	simm.s32 $0x4E70;
	p3 =	sne.s32 s24, s3;
	[sflag:s29] =	ssyncadd.s32 $0xFFFFEC00  }
0xa1: {  	[spmem:s2] =	stream.indirect.scatter.add.f32 [tilespmem:s11], [sflag:$0x7], $0x40, s28, s7, $0xb8;
	[tilespmem:$0x1E190] =	vst v63  }
0xa2: {  	s24 =	simm.s32 @!p3 $0x50;
	s8 =	simm.s32 @!p3 $0x10040  }
0xa3: {  	[spmem:s4] =	stream.indirect.scatter.add.f32 @!p3 [tilespmem:s8], [sflag:$0x7], $0x10, s28, s24, $0xb8;
	[tilespmem:$0x1E190] =	vst v63  }
0xa4: {  	_ =	swait.ge [sflag:s15], $0x1400  }
0xa5: {  	[sflag:s15] =	ssyncset.done $0x0  }
0xa6: {  	s8 =	simm.s32 $0x4EC0;
	[sflag:s15] =	ssyncadd.s32 $0xFFFFEC00  }
0xa7: {  	[spmem:s2] =	stream.indirect.scatter.add.f32 [tilespmem:s12], [sflag:$0x8], $0x40, s8, s7, $0xb8;
	[tilespmem:$0x1E190] =	vst v63  }
0xa8: {  	_ = 	snop  }
0xa9: {  	[spmem:s4] =	stream.indirect.scatter.add.f32 @!p1 [tilespmem:s26], [sflag:$0x8], $0x10, s8, s25, $0xb8;
	[tilespmem:$0x1E190] =	vst v63  }
0xaa: {  	s25 =	simm.s32 $0xFFFFFFFF;
	_ =	swait.ge [sflag:s16], $0x1400  }
0xab: {  	s8 =	sand.u32 $0x1, s25;
	[sflag:s16] =	ssyncset.done $0x0  }
0xac: {  	s24 =	simm.s32 $0x4F10;
	p2 =	sne.s32 s8, s3;
	[sflag:s16] =	ssyncadd.s32 $0xFFFFEC00  }
0xad: {  	[spmem:s2] =	stream.indirect.scatter.add.f32 [tilespmem:s13], [sflag:$0x9], $0x40, s24, s7, $0xb8;
	[tilespmem:$0x1E190] =	vst v63  }
0xae: {  	s8 =	simm.s32 @!p2 $0x50;
	s25 =	simm.s32 @!p2 $0x10040  }
0xaf: {  	[spmem:s4] =	stream.indirect.scatter.add.f32 @!p2 [tilespmem:s25], [sflag:$0x9], $0x10, s24, s8, $0xb8;
	[tilespmem:$0x1E190] =	vst v63  }
0xb0: {  	_ =	swait.ge [sflag:s17], $0x1400  }
0xb1: {  	[sflag:s17] =	ssyncset.done $0x0  }
0xb2: {  	p4 =	seq.s32 s31, s3;
	s8 =	simm.s32 $0x4F60;
	[sflag:s17] =	ssyncadd.s32 $0xFFFFEC00  }
0xb3: {  	[spmem:s2] =	stream.indirect.scatter.add.f32 [tilespmem:s14], [sflag:$0xA], $0x40, s8, s7, $0xb8;
	[tilespmem:$0x1E190] =	vst v63  }
0xb4: {  	s23 =	simm.s32 @p4 $0x50;
	s24 =	simm.s32 @p4 $0x10040  }
0xb5: {  	[spmem:s4] =	stream.indirect.scatter.add.f32 @p4 [tilespmem:s24], [sflag:$0xA], $0x10, s8, s23, $0xb8;
	[tilespmem:$0x1E190] =	vst v63  }
0xb6: {  	s8 =	simm.s32 @p4 $0x6  }
0xb7: {  	_ =	swait.ge @p4 [sflag:s8], $0x1400  }
0xb8: {  	[sflag:s8] =	ssyncset.done @p4 $0x0  }
0xb9: {  	[sflag:s8] =	ssyncadd.s32 @p4 $0xFFFFEC00  }
0xba: {  	_ =	swait.ge @p4 [sflag:s8], $0x500  }
0xbb: {  	[sflag:s8] =	ssyncset.done @p4 $0x0  }
0xbc: {  	[sflag:s8] =	ssyncadd.s32 @p4 $0xFFFFFB00;
	s8 =	simm.s32 @!p4 $0x6  }
0xbd: {  	_ =	swait.ge @!p4 [sflag:s8], $0x1400  }
0xbe: {  	[sflag:s8] =	ssyncset.done @!p4 $0x0  }
0xbf: {  	s26 =	simm.s32 $0x190;
	[sflag:s8] =	ssyncadd.s32 @!p4 $0xFFFFEC00  }
0xc0: {  	[tilespmem:s10], [sflag:$0x1] =	stream.indirect.gather [hbm4b:s18+s7], $0x40, s26, s7, $0xb8;
	[tilespmem:$0x1E190] =	vst v63  }
0xc1: {  	_ =	swait.ge [sflag:s6], $0x1400  }
0xc2: {  	[sflag:s6] =	ssyncset.done $0x0  }
0xc3: {  	s8 =	simm.s32 @!p3 $0x7;
	[sflag:s6] =	ssyncadd.s32 $0xFFFFEC00  }
0xc4: {  	_ =	swait.ge @!p3 [sflag:s8], $0x500  }
0xc5: {  	[sflag:s8] =	ssyncset.done @!p3 $0x0  }
0xc6: {  	s28 =	simm.s32 $0x1E0;
	[sflag:s8] =	ssyncadd.s32 @!p3 $0xFFFFFB00  }
0xc7: {  	[tilespmem:s11], [sflag:$0x2] =	stream.indirect.gather [hbm4b:s18+s7], $0x40, s28, s7, $0xb8;
	[tilespmem:$0x1E190] =	vst v63  }
0xc8: {  	_ =	swait.ge [sflag:s19], $0x1400  }
0xc9: {  	[sflag:s19] =	ssyncset.done $0x0  }
0xca: {  	s8 =	simm.s32 @!p1 $0x8;
	[sflag:s19] =	ssyncadd.s32 $0xFFFFEC00  }
0xcb: {  	_ =	swait.ge @!p1 [sflag:s8], $0x500  }
0xcc: {  	[sflag:s8] =	ssyncset.done @!p1 $0x0  }
0xcd: {  	s30 =	simm.s32 $0x230;
	[sflag:s8] =	ssyncadd.s32 @!p1 $0xFFFFFB00  }
0xce: {  	[tilespmem:s12], [sflag:$0x3] =	stream.indirect.gather [hbm4b:s18+s7], $0x40, s30, s7, $0xb8;
	[tilespmem:$0x1E190] =	vst v63  }
0xcf: {  	_ =	swait.ge [sflag:s20], $0x1400  }
0xd0: {  	[sflag:s20] =	ssyncset.done $0x0  }
0xd1: {  	s8 =	simm.s32 @!p2 $0x9;
	[sflag:s20] =	ssyncadd.s32 $0xFFFFEC00  }
0xd2: {  	_ =	swait.ge @!p2 [sflag:s8], $0x500  }
0xd3: {  	s31 =	simm.s32 $0x280;
	[sflag:s8] =	ssyncset.done @!p2 $0x0  }
0xd4: {  	s24 =	simm.s32 $0x640;
	s23 =	simm.s32 $0x0;
	[sflag:s8] =	ssyncadd.s32 @!p2 $0xFFFFFB00  }
0xd5: {  	[tilespmem:s13], [sflag:$0x4] =	stream.indirect.gather [hbm4b:s18+s7], $0x40, s31, s7, $0xb8;
	[tilespmem:$0x1E190] =	vst v63  }
.LBB2_4:
0xd6: {  	_ =	swait.ge [sflag:s21], $0x1400  }
0xd7: {  	s22 =	sadd.s32 $0x5, s22;
	s8 =	smov.u32 s24;
	s24 =	sadd.s32 $0x640, s24  }
0xd8: {  	p2 =	sne.s32 s24, $0x13240;
	[sflag:s21] =	ssyncset.done $0x0  }
0xd9: {  	s26 =	simm.s32 @!p1 $0xA;
	s8 =	sshra.s32 s8, $0x2;
	[sflag:s21] =	ssyncadd.s32 $0xFFFFEC00  }
0xda: {  	s25 =	sand.u32 $0x1, s22;
	_ =	swait.ge @!p1 [sflag:s26], $0x500  }
0xdb: {  	[sflag:s26] =	ssyncset.done @!p1 $0x0  }
0xdc: {  	s23 =	sadd.s32 $0x2D0, s23;
	[sflag:s26] =	ssyncadd.s32 @!p1 $0xFFFFFB00;
	p1 =	sne.s32 s25, s3  }
0xdd: {  	[tilespmem:s14], [sflag:$0x5] =	stream.indirect.gather [hbm4b:s18+s7], $0x40, s23, s7, $0xb8;
	[tilespmem:$0x1E190] =	vst v63  }
0xde: {  	s26 =	sadd.s32 $0x4E20, s8;
	s23 =	smov.u32 s8;
	_ =	swait.ge [sflag:s1], $0x1400  }
0xdf: {  	s8 =	sxor.u32 $0xFFFFFFFF, s22;
	[sflag:s1] =	ssyncset.done $0x0  }
0xe0: {  	s28 =	simm.s32 @!p1 $0x50;
	s9 =	simm.s32 @!p1 $0x10040;
	[sflag:s1] =	ssyncadd.s32 $0xFFFFEC00  }
0xe1: {  	[spmem:s2] =	stream.indirect.scatter.add.f32 [tilespmem:s10], [sflag:$0x6], $0x40, s26, s7, $0xb8;
	[tilespmem:$0x1E190] =	vst v63  }
0xe2: {  	s8 =	sand.u32 $0x1, s8  }
0xe3: {  	[spmem:s4] =	stream.indirect.scatter.add.f32 @!p1 [tilespmem:s9], [sflag:$0x6], $0x10, s26, s28, $0xb8;
	[tilespmem:$0x1E190] =	vst v63  }
0xe4: {  	_ =	swait.ge [sflag:s29], $0x1400  }
0xe5: {  	[sflag:s29] =	ssyncset.done $0x0  }
0xe6: {  	p4 =	sne.s32 s8, s3;
	s26 =	sadd.s32 $0x4E70, s23;
	[sflag:s29] =	ssyncadd.s32 $0xFFFFEC00  }
0xe7: {  	[spmem:s2] =	stream.indirect.scatter.add.f32 [tilespmem:s11], [sflag:$0x7], $0x40, s26, s7, $0xb8;
	[tilespmem:$0x1E190] =	vst v63  }
0xe8: {  	s31 =	sadd.s32 $0x4EC0, s23;
	s8 =	simm.s32 @!p4 $0x50;
	s30 =	simm.s32 @!p4 $0x10040  }
0xe9: {  	[spmem:s4] =	stream.indirect.scatter.add.f32 @!p4 [tilespmem:s30], [sflag:$0x7], $0x10, s26, s8, $0xb8;
	[tilespmem:$0x1E190] =	vst v63  }
0xea: {  	_ =	swait.ge [sflag:s15], $0x1400  }
0xeb: {  	[sflag:s15] =	ssyncset.done $0x0  }
0xec: {  	s8 =	sadd.s32 $0xFFFFFFFF, s22;
	[sflag:s15] =	ssyncadd.s32 $0xFFFFEC00  }
0xed: {  	[spmem:s2] =	stream.indirect.scatter.add.f32 [tilespmem:s12], [sflag:$0x8], $0x40, s31, s7, $0xb8;
	[tilespmem:$0x1E190] =	vst v63  }
0xee: {  	s26 =	sadd.s32 $0x4F10, s23;
	s8 =	sand.u32 $0x1, s8  }
0xef: {  	p3 =	sne.s32 s8, s3  }
0xf0: {  	[spmem:s4] =	stream.indirect.scatter.add.f32 @!p1 [tilespmem:s9], [sflag:$0x8], $0x10, s31, s28, $0xb8;
	[tilespmem:$0x1E190] =	vst v63  }
0xf1: {  	_ =	swait.ge [sflag:s16], $0x1400  }
0xf2: {  	[sflag:s16] =	ssyncset.done $0x0  }
0xf3: {  	s8 =	simm.s32 @!p3 $0x50;
	s9 =	simm.s32 @!p3 $0x10040;
	[sflag:s16] =	ssyncadd.s32 $0xFFFFEC00  }
0xf4: {  	[spmem:s2] =	stream.indirect.scatter.add.f32 [tilespmem:s13], [sflag:$0x9], $0x40, s26, s7, $0xb8;
	[tilespmem:$0x1E190] =	vst v63  }
0xf5: {  	p5 =	seq.s32 s25, s3;
	s25 =	sadd.s32 $0x4F60, s23  }
0xf6: {  	[spmem:s4] =	stream.indirect.scatter.add.f32 @!p3 [tilespmem:s9], [sflag:$0x9], $0x10, s26, s8, $0xb8;
	[tilespmem:$0x1E190] =	vst v63  }
0xf7: {  	s8 =	simm.s32 @p5 $0x50;
	s9 =	simm.s32 @p5 $0x10040;
	_ =	swait.ge [sflag:s17], $0x1400  }
0xf8: {  	[sflag:s17] =	ssyncset.done $0x0  }
0xf9: {  	s26 =	simm.s32 @p5 $0x6;
	[sflag:s17] =	ssyncadd.s32 $0xFFFFEC00  }
0xfa: {  	[spmem:s2] =	stream.indirect.scatter.add.f32 [tilespmem:s14], [sflag:$0xA], $0x40, s25, s7, $0xb8;
	[tilespmem:$0x1E190] =	vst v63  }
0xfb: {  	_ = 	snop  }
0xfc: {  	[spmem:s4] =	stream.indirect.scatter.add.f32 @p5 [tilespmem:s9], [sflag:$0xA], $0x10, s25, s8, $0xb8;
	[tilespmem:$0x1E190] =	vst v63  }
0xfd: {  	_ =	swait.ge @p5 [sflag:s26], $0x1400  }
0xfe: {  	[sflag:s26] =	ssyncset.done @p5 $0x0  }
0xff: {  	[sflag:s26] =	ssyncadd.s32 @p5 $0xFFFFEC00  }
0x100: {  	_ =	swait.ge @p5 [sflag:s26], $0x500  }
0x101: {  	[sflag:s26] =	ssyncset.done @p5 $0x0  }
0x102: {  	s8 =	simm.s32 @!p5 $0x6;
	[sflag:s26] =	ssyncadd.s32 @p5 $0xFFFFFB00  }
0x103: {  	_ =	swait.ge @!p5 [sflag:s8], $0x1400  }
0x104: {  	[sflag:s8] =	ssyncset.done @!p5 $0x0  }
0x105: {  	[sflag:s8] =	ssyncadd.s32 @!p5 $0xFFFFEC00;
	s8 =	sadd.s32 $0x190, s23  }
0x106: {  	[tilespmem:s10], [sflag:$0x1] =	stream.indirect.gather [hbm4b:s18+s7], $0x40, s8, s7, $0xb8;
	[tilespmem:$0x1E190] =	vst v63  }
0x107: {  	_ =	swait.ge [sflag:s6], $0x1400  }
0x108: {  	[sflag:s6] =	ssyncset.done $0x0  }
0x109: {  	s8 =	simm.s32 @!p4 $0x7;
	[sflag:s6] =	ssyncadd.s32 $0xFFFFEC00  }
0x10a: {  	_ =	swait.ge @!p4 [sflag:s8], $0x500  }
0x10b: {  	[sflag:s8] =	ssyncset.done @!p4 $0x0  }
0x10c: {  	[sflag:s8] =	ssyncadd.s32 @!p4 $0xFFFFFB00;
	s8 =	sadd.s32 $0x1E0, s23  }
0x10d: {  	[tilespmem:s11], [sflag:$0x2] =	stream.indirect.gather [hbm4b:s18+s7], $0x40, s8, s7, $0xb8;
	[tilespmem:$0x1E190] =	vst v63  }
0x10e: {  	_ =	swait.ge [sflag:s19], $0x1400  }
0x10f: {  	[sflag:s19] =	ssyncset.done $0x0  }
0x110: {  	s8 =	simm.s32 @!p1 $0x8;
	[sflag:s19] =	ssyncadd.s32 $0xFFFFEC00  }
0x111: {  	_ =	swait.ge @!p1 [sflag:s8], $0x500  }
0x112: {  	[sflag:s8] =	ssyncset.done @!p1 $0x0  }
0x113: {  	[sflag:s8] =	ssyncadd.s32 @!p1 $0xFFFFFB00;
	s8 =	sadd.s32 $0x230, s23  }
0x114: {  	[tilespmem:s12], [sflag:$0x3] =	stream.indirect.gather [hbm4b:s18+s7], $0x40, s8, s7, $0xb8;
	[tilespmem:$0x1E190] =	vst v63  }
0x115: {  	_ =	swait.ge [sflag:s20], $0x1400  }
0x116: {  	[sflag:s20] =	ssyncset.done $0x0  }
.Ltmp1:
0x117: {  	s8 =	simm.s32 @!p3 $0x9;
	[sflag:s20] =	ssyncadd.s32 $0xFFFFEC00;
	(pc) =	sbr.rel @p2 .LBB2_4-.Ltmp1, $4  }
0x118: {  	_ =	swait.ge @!p3 [sflag:s8], $0x500  }
0x119: {  	[sflag:s8] =	ssyncset.done @!p3 $0x0  }
0x11a: {  	[sflag:s8] =	ssyncadd.s32 @!p3 $0xFFFFFB00;
	s8 =	sadd.s32 $0x280, s23  }
0x11b: {  	[tilespmem:s13], [sflag:$0x4] =	stream.indirect.gather [hbm4b:s18+s7], $0x40, s8, s7, $0xb8;
	[tilespmem:$0x1E190] =	vst v63  }
0x11c: {  	_ =	swait.ge [sflag:s21], $0x1400  }
0x11d: {  	[sflag:s21] =	ssyncset.done $0x0  }
0x11e: {  	s8 =	simm.s32 @!p1 $0xA;
	[sflag:s21] =	ssyncadd.s32 $0xFFFFEC00  }
0x11f: {  	_ =	swait.ge @!p1 [sflag:s8], $0x500  }
0x120: {  	[sflag:s8] =	ssyncset.done @!p1 $0x0  }
0x121: {  	s9 =	sadd.s32 $0x2D0, s23;
	[sflag:s8] =	ssyncadd.s32 @!p1 $0xFFFFFB00  }
0x122: {  	[tilespmem:s14], [sflag:$0x5] =	stream.indirect.gather [hbm4b:s18+s7], $0x40, s9, s7, $0xb8;
	[tilespmem:$0x1E190] =	vst v63  }
0x123: {  	_ =	swait.ge [sflag:s1], $0x1400  }
0x124: {  	[sflag:s1] =	ssyncset.done $0x0  }
0x125: {  	s22 =	simm.s32 $0x9AB0;
	s8 =	simm.s32 @p0 $0x2;
	[sflag:s1] =	ssyncadd.s32 $0xFFFFEC00  }
0x126: {  	[spmem:s2] =	stream.indirect.scatter.add.f32 [tilespmem:s10], [sflag:$0x6], $0x40, s22, s7, $0xb8;
	[tilespmem:$0x1E190] =	vst v63  }
0x127: {  	_ =	swait.ge @p0 [sflag:s8], $0x1400  }
0x128: {  	s9 =	simm.s32 @p0 $0x9B00;
	[sflag:s8] =	ssyncset.done @p0 $0x0  }
0x129: {  	s22 =	simm.s32 @p0 $0xB040;
	[sflag:s8] =	ssyncadd.s32 @p0 $0xFFFFEC00;
	s8 =	simm.s32 @p0 $0x50  }
0x12a: {  	[spmem:s2] =	stream.indirect.scatter.add.f32 @p0 [tilespmem:s22], [sflag:$0x7], $0x40, s9, s8, $0xb8;
	[tilespmem:$0x1E190] =	vst v63  }
0x12b: {  	s22 =	simm.s32 @p0 $0x10040  }
0x12c: {  	[spmem:s4] =	stream.indirect.scatter.add.f32 @p0 [tilespmem:s22], [sflag:$0x7], $0x10, s9, s8, $0xb8;
	[tilespmem:$0x1E190] =	vst v63  }
0x12d: {  	s9 =	simm.s32 @p0 $0x3  }
0x12e: {  	_ =	swait.ge @p0 [sflag:s9], $0x1400  }
0x12f: {  	[sflag:s9] =	ssyncset.done @p0 $0x0  }
0x130: {  	s23 =	simm.s32 @p0 $0xC440;
	[sflag:s9] =	ssyncadd.s32 @p0 $0xFFFFEC00;
	s9 =	simm.s32 @p0 $0x9B50  }
0x131: {  	[spmem:s2] =	stream.indirect.scatter.add.f32 @p0 [tilespmem:s23], [sflag:$0x8], $0x40, s9, s8, $0xb8;
	[tilespmem:$0x1E190] =	vst v63  }
0x132: {  	s9 =	simm.s32 @p0 $0x4  }
0x133: {  	_ =	swait.ge @p0 [sflag:s9], $0x1400  }
0x134: {  	[sflag:s9] =	ssyncset.done @p0 $0x0  }
0x135: {  	s23 =	simm.s32 @p0 $0xD840;
	[sflag:s9] =	ssyncadd.s32 @p0 $0xFFFFEC00;
	s9 =	simm.s32 @p0 $0x9BA0  }
0x136: {  	[spmem:s2] =	stream.indirect.scatter.add.f32 @p0 [tilespmem:s23], [sflag:$0x9], $0x40, s9, s8, $0xb8;
	[tilespmem:$0x1E190] =	vst v63  }
0x137: {  	_ = 	snop  }
0x138: {  	[spmem:s4] =	stream.indirect.scatter.add.f32 @p0 [tilespmem:s22], [sflag:$0x9], $0x10, s9, s8, $0xb8;
	[tilespmem:$0x1E190] =	vst v63  }
0x139: {  	s9 =	simm.s32 @p0 $0x5  }
0x13a: {  	_ =	swait.ge @p0 [sflag:s9], $0x1400  }
0x13b: {  	[sflag:s9] =	ssyncset.done @p0 $0x0  }
0x13c: {  	s22 =	simm.s32 @p0 $0xEC40;
	[sflag:s9] =	ssyncadd.s32 @p0 $0xFFFFEC00;
	s9 =	simm.s32 @p0 $0x9BF0  }
0x13d: {  	[spmem:s2] =	stream.indirect.scatter.add.f32 @p0 [tilespmem:s22], [sflag:$0xA], $0x40, s9, s8, $0xb8;
	[tilespmem:$0x1E190] =	vst v63  }
0x13e: {  	s8 =	simm.s32 @p0 $0x6  }
0x13f: {  	_ =	swait.ge @p0 [sflag:s8], $0x1400  }
0x140: {  	[sflag:s8] =	ssyncset.done @p0 $0x0  }
0x141: {  	[sflag:s8] =	ssyncadd.s32 @p0 $0xFFFFEC00;
	s8 =	simm.s32 @p0 $0x7  }
0x142: {  	_ =	swait.ge @p0 [sflag:s8], $0x1400  }
0x143: {  	[sflag:s8] =	ssyncset.done @p0 $0x0  }
0x144: {  	[sflag:s8] =	ssyncadd.s32 @p0 $0xFFFFEC00  }
0x145: {  	_ =	swait.ge @p0 [sflag:s8], $0x500  }
0x146: {  	[sflag:s8] =	ssyncset.done @p0 $0x0  }
0x147: {  	[sflag:s8] =	ssyncadd.s32 @p0 $0xFFFFFB00;
	s8 =	simm.s32 @p0 $0x8  }
0x148: {  	_ =	swait.ge @p0 [sflag:s8], $0x1400  }
0x149: {  	[sflag:s8] =	ssyncset.done @p0 $0x0  }
0x14a: {  	[sflag:s8] =	ssyncadd.s32 @p0 $0xFFFFEC00;
	s8 =	simm.s32 @p0 $0x9  }
0x14b: {  	_ =	swait.ge @p0 [sflag:s8], $0x1400  }
0x14c: {  	[sflag:s8] =	ssyncset.done @p0 $0x0  }
0x14d: {  	[sflag:s8] =	ssyncadd.s32 @p0 $0xFFFFEC00  }
0x14e: {  	_ =	swait.ge @p0 [sflag:s8], $0x500  }
0x14f: {  	[sflag:s8] =	ssyncset.done @p0 $0x0  }
0x150: {  	[sflag:s8] =	ssyncadd.s32 @p0 $0xFFFFFB00;
	s8 =	simm.s32 @p0 $0xA  }
0x151: {  	_ =	swait.ge @p0 [sflag:s8], $0x1400  }
0x152: {  	s9 =	simm.s32 @!p0 $0x9AB0;
	[sflag:s8] =	ssyncset.done @p0 $0x0  }
0x153: {  	s22 =	simm.s32 @!p0 $0x10040;
	[sflag:s8] =	ssyncadd.s32 @p0 $0xFFFFEC00;
	s8 =	simm.s32 @!p0 $0x50  }
0x154: {  	[spmem:s4] =	stream.indirect.scatter.add.f32 @!p0 [tilespmem:s22], [sflag:$0x6], $0x10, s9, s8, $0xb8;
	[tilespmem:$0x1E190] =	vst v63  }
0x155: {  	s9 =	simm.s32 @!p0 $0x2  }
0x156: {  	_ =	swait.ge @!p0 [sflag:s9], $0x1400  }
0x157: {  	[sflag:s9] =	ssyncset.done @!p0 $0x0  }
0x158: {  	s23 =	simm.s32 @!p0 $0xB040;
	[sflag:s9] =	ssyncadd.s32 @!p0 $0xFFFFEC00;
	s9 =	simm.s32 @!p0 $0x9B00  }
0x159: {  	[spmem:s2] =	stream.indirect.scatter.add.f32 @!p0 [tilespmem:s23], [sflag:$0x7], $0x40, s9, s8, $0xb8;
	[tilespmem:$0x1E190] =	vst v63  }
0x15a: {  	s9 =	simm.s32 @!p0 $0x3  }
0x15b: {  	_ =	swait.ge @!p0 [sflag:s9], $0x1400  }
0x15c: {  	[sflag:s9] =	ssyncset.done @!p0 $0x0  }
0x15d: {  	s23 =	simm.s32 @!p0 $0xC440;
	[sflag:s9] =	ssyncadd.s32 @!p0 $0xFFFFEC00;
	s9 =	simm.s32 @!p0 $0x9B50  }
0x15e: {  	[spmem:s2] =	stream.indirect.scatter.add.f32 @!p0 [tilespmem:s23], [sflag:$0x8], $0x40, s9, s8, $0xb8;
	[tilespmem:$0x1E190] =	vst v63  }
0x15f: {  	_ = 	snop  }
0x160: {  	[spmem:s4] =	stream.indirect.scatter.add.f32 @!p0 [tilespmem:s22], [sflag:$0x8], $0x10, s9, s8, $0xb8;
	[tilespmem:$0x1E190] =	vst v63  }
0x161: {  	s9 =	simm.s32 @!p0 $0x4  }
0x162: {  	_ =	swait.ge @!p0 [sflag:s9], $0x1400  }
0x163: {  	[sflag:s9] =	ssyncset.done @!p0 $0x0  }
0x164: {  	s23 =	simm.s32 @!p0 $0xD840;
	[sflag:s9] =	ssyncadd.s32 @!p0 $0xFFFFEC00;
	s9 =	simm.s32 @!p0 $0x9BA0  }
0x165: {  	[spmem:s2] =	stream.indirect.scatter.add.f32 @!p0 [tilespmem:s23], [sflag:$0x9], $0x40, s9, s8, $0xb8;
	[tilespmem:$0x1E190] =	vst v63  }
0x166: {  	s9 =	simm.s32 @!p0 $0x5  }
0x167: {  	_ =	swait.ge @!p0 [sflag:s9], $0x1400  }
0x168: {  	[sflag:s9] =	ssyncset.done @!p0 $0x0  }
0x169: {  	s23 =	simm.s32 @!p0 $0xEC40;
	[sflag:s9] =	ssyncadd.s32 @!p0 $0xFFFFEC00;
	s9 =	simm.s32 @!p0 $0x9BF0  }
0x16a: {  	[spmem:s2] =	stream.indirect.scatter.add.f32 @!p0 [tilespmem:s23], [sflag:$0xA], $0x40, s9, s8, $0xb8;
	[tilespmem:$0x1E190] =	vst v63  }
0x16b: {  	_ = 	snop  }
0x16c: {  	[spmem:s4] =	stream.indirect.scatter.add.f32 @!p0 [tilespmem:s22], [sflag:$0xA], $0x10, s9, s8, $0xb8;
	[tilespmem:$0x1E190] =	vst v63  }
0x16d: {  	s8 =	simm.s32 @!p0 $0x6  }
0x16e: {  	_ =	swait.ge @!p0 [sflag:s8], $0x1400  }
0x16f: {  	[sflag:s8] =	ssyncset.done @!p0 $0x0  }
0x170: {  	[sflag:s8] =	ssyncadd.s32 @!p0 $0xFFFFEC00  }
0x171: {  	_ =	swait.ge @!p0 [sflag:s8], $0x500  }
0x172: {  	[sflag:s8] =	ssyncset.done @!p0 $0x0  }
0x173: {  	[sflag:s8] =	ssyncadd.s32 @!p0 $0xFFFFFB00;
	s8 =	simm.s32 @!p0 $0x7  }
0x174: {  	_ =	swait.ge @!p0 [sflag:s8], $0x1400  }
0x175: {  	[sflag:s8] =	ssyncset.done @!p0 $0x0  }
0x176: {  	[sflag:s8] =	ssyncadd.s32 @!p0 $0xFFFFEC00;
	s8 =	simm.s32 @!p0 $0x8  }
0x177: {  	_ =	swait.ge @!p0 [sflag:s8], $0x1400  }
0x178: {  	[sflag:s8] =	ssyncset.done @!p0 $0x0  }
0x179: {  	[sflag:s8] =	ssyncadd.s32 @!p0 $0xFFFFEC00  }
0x17a: {  	_ =	swait.ge @!p0 [sflag:s8], $0x500  }
0x17b: {  	[sflag:s8] =	ssyncset.done @!p0 $0x0  }
0x17c: {  	[sflag:s8] =	ssyncadd.s32 @!p0 $0xFFFFFB00;
	s8 =	simm.s32 @!p0 $0x9  }
0x17d: {  	_ =	swait.ge @!p0 [sflag:s8], $0x1400  }
0x17e: {  	[sflag:s8] =	ssyncset.done @!p0 $0x0  }
0x17f: {  	[sflag:s8] =	ssyncadd.s32 @!p0 $0xFFFFEC00;
	s8 =	simm.s32 @!p0 $0xA  }
0x180: {  	_ =	swait.ge @!p0 [sflag:s8], $0x1400  }
0x181: {  	[sflag:s8] =	ssyncset.done @!p0 $0x0  }
0x182: {  	[sflag:s8] =	ssyncadd.s32 @!p0 $0xFFFFEC00  }
0x183: {  	_ =	swait.ge @!p0 [sflag:s8], $0x500  }
0x184: {  	[sflag:s8] =	ssyncset.done @!p0 $0x0  }
0x185: {  	[sflag:s8] =	ssyncadd.s32 @!p0 $0xFFFFFB00  }
0x186: {  	s23 =	stileid.u32;
	[bflag:$0x0] =	sbarrier.arrive $0xFFFF  }
0x187: {  	s8 =	sshll.u32 s23, $0x6;
	s25 =	rddreg [dreg:$0x9]  }
0x188: {  	s24 =	sor.u32 $0x1C01, s8;
	s28 =	rddreg [dreg:$0x19];
	s26 =	sshrl.u32 s25, $0x3  }
0x189: {  	[hbm:s28], [sflag:s24] =	dma.local [spmem:s26], $0x1400  }
0x18a: {  	s26 =	rddreg [dreg:$0xa]  }
0x18b: {  	s8 =	sor.u32 $0x1C02, s8;
	s22 =	rddreg [dreg:$0x1a];
	s30 =	sshrl.u32 s26, $0x3  }
0x18c: {  	[hbm:s22], [sflag:s8] =	dma.local [spmem:s30], $0x500  }
0x18d: {  	_ =	swait.ge [sflag:s1], $0x1400  }
0x18e: {  	[sflag:s1] =	ssyncset.done $0x0  }
0x18f: {  	[sflag:s1] =	ssyncadd.s32 $0xFFFFEC00  }
0x190: {  	_ =	swait.ge [sflag:s29], $0x500  }
0x191: {  	s5 =	sadd.s32 $0x1, s5;
	s31 =	rddreg [dreg:$0x1b]  }
0x192: {  	p1 =	sne.s32 s5, s31  }
.Ltmp2:
0x193: {  	_ = 	snop;
	(pc) =	sbr.rel @p1 .LBB2_1-.Ltmp2, $3  }
0x194: {  	_ =	sdelay $0x1  }
0x195: {  	[sflag:s29] =	ssyncset.done $0x0  }
0x196: {  	[sflag:s29] =	ssyncadd.s32 $0xFFFFFB00  }
0x197: {  	_ =	sfence.sel $0x180000  }
0x198: {  	[bflag:$0x0] =	sbarrier.arrive $0xFFFF  }
0x199: {  	_ =	strace $0x90000047  }
0x19a: {  	s0 =	stileid.u32;
	[bflag:$0x2] =	sbarrier.arrive $0xFFFF  }
0x19b: {  	p0 =	sne.s32 s0, $0x0;
	s0 =	rddreg [dreg:$0x6]  }
0x19c: {  	s0 =	sadd.s32 @!p0 $0x100000, s0  }
0x19d: {  	[sflag:s0] =	ssyncadd.tile.s32 @!p0 $0x1;
	_ =	shalt  }
.Lfunc_end2:
_tile_overlayer_lowered:
.L_overlay_start_2:
0x19e: {  	(tag) =	ssettag $0x2  }
0x19f: {  	s0 =	rddreg [dreg:$0x0];
	s2 =	stileid.u32  }
0x1a0: {  	s1 =	rddreg [dreg:$0x1];
	p0 =	sne.s32 s2, $0x0  }
0x1a1: {  	s3 =	rddreg [dreg:$0x2];
	[bflag:$0x3] =	sbarrier.arrive $0xFFFF;
	s2 =	simm.s32 @!p0 $0x1C0B  }
0x1a2: {  	[timem:s3], [sflag:s2] =	dma.local @!p0 [hbm:s0], s1  }
0x1a3: {  	s0 =	simm.s32 @!p0 $0xB  }
0x1a4: {  	_ =	swait.ge @!p0 [sflag:s0], s1  }
0x1a5: {  	s1 =	ssub.s32 @!p0 $0x0, s1;
	[sflag:s0] =	ssyncset.done @!p0 $0x0  }
0x1a6: {  	[sflag:s0] =	ssyncadd.s32 @!p0 s1  }
0x1a7: {  	[bflag:$0x3] =	sbarrier.arrive $0xFFFF  }
0x1a8: {  	_ =	shalt  }

</sc_bundles>
